<compile_context>
chip_gen: v7x
topology: tpu7x:2x2x1
jax: 0.10.2.dev20260603
libtpu: 0.0.44.dev20260713+nightly
codegen_flags: <defaults>
</compile_context>

<pallas_src>
import functools

import jax
import jax.numpy as jnp
from jax import lax
from jax.experimental import pallas as pl
from jax.experimental.pallas import tpu as pltpu
from jax.experimental.pallas import tpu_sc as plsc

NUM_GRAPHS = 512
N_NODES = 100000
D_NODE = 128
D_U = 64
D_REP = 128

NC = 2
NS = 16
NW = NC * NS
CHUNK = 128
NFULL = N_NODES // CHUNK
TAIL = N_NODES - NFULL * CHUNK
TAIL_BASE = NFULL * CHUNK
MAXCH = -(-NFULL // NW)
SEG_PER_SUB = NUM_GRAPHS // NS


@functools.partial(
    pl.kernel,
    mesh=plsc.VectorSubcoreMesh(core_axis_name="c", subcore_axis_name="s"),
    compiler_params=pltpu.CompilerParams(needs_layout_passes=False),
    out_type=[
        jax.ShapeDtypeStruct((NC, NUM_GRAPHS, D_NODE), jnp.float32),
        jax.ShapeDtypeStruct((NW, NUM_GRAPHS), jnp.float32),
    ],
    scratch_types=[
        pltpu.VMEM((2, CHUNK, D_NODE), jnp.float32),
        pltpu.VMEM((2, 1, CHUNK), jnp.int32),
        pltpu.VMEM((1, TAIL), jnp.int32),
        pltpu.VMEM((NUM_GRAPHS,), jnp.float32),
        pltpu.VMEM((SEG_PER_SUB, D_NODE), jnp.float32),
        pltpu.VMEM_SHARED((NUM_GRAPHS, D_NODE), jnp.float32),
        pltpu.SemaphoreType.DMA((2,)),
        pltpu.SemaphoreType.DMA((2,)),
    ],
)
def _sc_segment_sum(x_hbm, seg_hbm, out_sums, out_cnts,
                    xbuf, idxbuf, tidx, cnt_loc, zbuf, acc_sh, xsem, isem):
    c = lax.axis_index("c")
    s = lax.axis_index("s")
    wid = s * NC + c

    def _fill_row(i, _):
        @pl.when(i < SEG_PER_SUB)
        def _():
            for j in range(D_NODE // 16):
                zbuf[i, pl.ds(j * 16, 16)] = jnp.zeros((16,), jnp.float32)
        cnt_loc[pl.ds(i * 16, 16)] = jnp.zeros((16,), jnp.float32)
        return 0

    lax.fori_loop(0, NUM_GRAPHS // 16, _fill_row, 0)

    pltpu.sync_copy(zbuf, acc_sh.at[pl.ds(s * SEG_PER_SUB, SEG_PER_SUB)])
    plsc.subcore_barrier()

    ones16 = jnp.ones((16,), jnp.float32)

    def _count(idx_row, n_vecs):
        for j in range(n_vecs):
            idxv = idx_row[pl.ds(j * 16, 16)]
            plsc.addupdate_scatter(cnt_loc, [idxv], ones16)

    def _loads(k, b):
        base = k * CHUNK
        pltpu.make_async_copy(x_hbm.at[pl.ds(base, CHUNK)], xbuf.at[b], xsem.at[b]).start()
        pltpu.make_async_copy(seg_hbm.at[pl.ds(base, CHUNK)], idxbuf.at[b, 0], isem.at[b]).start()

    def _wait_loads(k, b):
        base = k * CHUNK
        pltpu.make_async_copy(x_hbm.at[pl.ds(base, CHUNK)], xbuf.at[b], xsem.at[b]).wait()
        pltpu.make_async_copy(seg_hbm.at[pl.ds(base, CHUNK)], idxbuf.at[b, 0], isem.at[b]).wait()

    _loads(wid, 0)

    def _step(i2, _):
        for b in range(2):
            ii = i2 * 2 + b
            k = wid + ii * NW
            kn = k + NW

            @pl.when(kn < NFULL)
            def _():
                _loads(kn, (b + 1) % 2)

            @pl.when(k < NFULL)
            def _():
                _wait_loads(k, b)
                pltpu.sync_copy(xbuf.at[b], acc_sh.at[idxbuf.at[b, 0]], add=True)
                _count(idxbuf.at[b, 0], CHUNK // 16)

        return 0

    lax.fori_loop(0, (MAXCH + 1) // 2, _step, 0)

    @pl.when(wid == NW - 1)
    def _():
        pltpu.sync_copy(x_hbm.at[pl.ds(TAIL_BASE, TAIL)], xbuf.at[0, pl.ds(0, TAIL)])
        pltpu.sync_copy(seg_hbm.at[pl.ds(TAIL_BASE, TAIL)], tidx.at[0])
        pltpu.sync_copy(xbuf.at[0, pl.ds(0, TAIL)], acc_sh.at[tidx.at[0]], add=True)
        _count(tidx.at[0], TAIL // 16)

    plsc.subcore_barrier()

    pltpu.sync_copy(acc_sh.at[pl.ds(s * SEG_PER_SUB, SEG_PER_SUB)],
                    out_sums.at[c, pl.ds(s * SEG_PER_SUB, SEG_PER_SUB)])
    pltpu.sync_copy(cnt_loc, out_cnts.at[wid])


def _mlp_body(sums_ref, cnts_ref, u_ref, w1_ref, b1_ref, g_ref, be_ref,
              w2_ref, b2_ref, out_ref):
    sums = sums_ref[0] + sums_ref[1]
    cnt = lax.dot_general(cnts_ref[...], jnp.ones((NW, 1), jnp.float32),
                          (((0,), (0,)), ((), ())),
                          preferred_element_type=jnp.float32)
    mean = sums / jnp.maximum(cnt, 1.0)
    h = (jnp.dot(u_ref[...], w1_ref[0:D_U, :], preferred_element_type=jnp.float32)
         + jnp.dot(mean, w1_ref[D_U:, :], preferred_element_type=jnp.float32)
         + b1_ref[...])
    h = jnp.where(h >= 0, h, 0.01 * h)
    mu = jnp.mean(h, axis=-1, keepdims=True)
    var = jnp.mean((h - mu) ** 2, axis=-1, keepdims=True)
    h = (h - mu) * lax.rsqrt(var + 1e-5) * g_ref[...] + be_ref[...]
    out_ref[...] = jnp.dot(h, w2_ref[...], preferred_element_type=jnp.float32) + b2_ref[...]


def kernel(x, edge_index, edge_attr, u, batch, W1, b1, gamma, beta, W2, b2):
    del edge_index, edge_attr
    seg = batch.astype(jnp.int32)
    sums2, cnts2 = _sc_segment_sum(x, seg)
    return pl.pallas_call(
        _mlp_body,
        out_shape=jax.ShapeDtypeStruct((NUM_GRAPHS, D_REP), jnp.float32),
    )(sums2, cnts2, u, W1, b1.reshape(1, -1), gamma.reshape(1, -1),
      beta.reshape(1, -1), W2, b2.reshape(1, -1))

# --- scband reference (transcript-rebuilt; emitter-appended) ---
"""Pipeline reference for scband-global-model-2370821947610 (READ-ONLY COPY).

The authoritative reference and input builder live on the scoring server;
editing this copy changes nothing except your own understanding.
"""

import jax, jax.numpy as jnp
import numpy as np

NUM_GRAPHS = 512
N_NODES = 100000
N_EDGES = 1600000
D_NODE = 128
D_EDGE = 16
D_U = 64
D_REP = 128

def setup_inputs(seed: int = 0) -> dict:
    key = jax.random.key(seed)
    ks = jax.random.split(key, 12)
    x = jax.random.normal(ks[0], (N_NODES, D_NODE), dtype=jnp.float32)
    edge_index = jax.random.randint(ks[1], (2, N_EDGES), 0, N_NODES, dtype=jnp.int64)
    edge_attr = jax.random.normal(ks[2], (N_EDGES, D_EDGE), dtype=jnp.float32)
    u = jax.random.normal(ks[3], (NUM_GRAPHS, D_U), dtype=jnp.float32)
    batch = jnp.sort(jax.random.randint(ks[4], (N_NODES,), 0, NUM_GRAPHS, dtype=jnp.int64))
    d_in = D_NODE + D_U
    W1 = jax.random.normal(ks[5], (d_in, D_REP), dtype=jnp.float32) * 0.05
    b1 = jnp.zeros((D_REP,), dtype=jnp.float32)
    gamma = jnp.ones((D_REP,), dtype=jnp.float32)
    beta = jnp.zeros((D_REP,), dtype=jnp.float32)
    W2 = jax.random.normal(ks[6], (D_REP, D_REP), dtype=jnp.float32) * 0.05
    b2 = jnp.zeros((D_REP,), dtype=jnp.float32)
    return {"x": x, "edge_index": edge_index, "edge_attr": edge_attr, "u": u, "batch": batch,
            "W1": W1, "b1": b1, "gamma": gamma, "beta": beta, "W2": W2, "b2": b2}

def reference(x, edge_index, edge_attr, u, batch, W1, b1, gamma, beta, W2, b2):
    # scatter_mean(x, batch, dim=0) -> per-graph mean of node features
    seg = batch.astype(jnp.int32)
    sums = jax.ops.segment_sum(x, seg, num_segments=NUM_GRAPHS)
    counts = jax.ops.segment_sum(jnp.ones((x.shape[0],), dtype=x.dtype), seg, num_segments=NUM_GRAPHS)
    mean = sums / jnp.maximum(counts, 1.0)[:, None]
    out = jnp.concatenate([u, mean], axis=1)
    # Linear -> LeakyReLU -> LayerNorm -> Identity -> Linear
    h = out @ W1 + b1
    h = jnp.where(h >= 0, h, 0.01 * h)
    mu = jnp.mean(h, axis=-1, keepdims=True)
    var = jnp.mean((h - mu) ** 2, axis=-1, keepdims=True)
    h = (h - mu) / jnp.sqrt(var + 1e-5) * gamma + beta
    return h @ W2 + b2

if __name__ == "__main__":
    import jax
    _d = setup_inputs()
    print(jax.jit(kernel)(*tuple(_d.values())))

</pallas_src>

<mosaic_0001>
#map = affine_map<(d0, d1) -> (0, 0)>
#map1 = affine_map<(d0, d1) -> (0)>
#map2 = affine_map<(d0, d1) -> (0, 0, 0)>
module attributes {stable_mosaic.version = 14 : i64} {
  func.func @_sc_segment_sum(%arg0: i32, %arg1: i32, %arg2: memref<100000x128xf32, #tpu.memory_space<hbm>>, %arg3: memref<100000xi32, #tpu.memory_space<hbm>>, %arg4: memref<2x512x128xf32, #tpu.memory_space<hbm>>, %arg5: memref<32x512xf32, #tpu.memory_space<hbm>>, %arg6: memref<2x128x128xf32, #tpu.memory_space<vmem>>, %arg7: memref<2x1x128xi32, #tpu.memory_space<vmem>>, %arg8: memref<1x32xi32, #tpu.memory_space<vmem>>, %arg9: memref<512xf32, #tpu.memory_space<vmem>>, %arg10: memref<32x128xf32, #tpu.memory_space<vmem>>, %arg11: memref<512x128xf32, #tpu.memory_space<vmem_shared>>, %arg12: memref<2x!tpu.dma_semaphore, #tpu.memory_space<semaphore_mem>>, %arg13: memref<2x!tpu.dma_semaphore, #tpu.memory_space<semaphore_mem>>) attributes {dimension_semantics = [#tpu.dimension_semantics<core_parallel>, #tpu.dimension_semantics<subcore_parallel>], iteration_bounds = array<i64: 2, 16>, scalar_prefetch = 0 : i64, scratch_operands = 8 : i64, tpu.core_type = #tpu.core_type<sc_vector_subcore>, window_params = [{transform_indices = #map}, {transform_indices = #map1}, {transform_indices = #map2}, {transform_indices = #map}]} {
    %mul3A = arith.constant 2 : i32
    %mul3A_0 = arith.muli %arg1, %mul3A : i32
    %add3A = arith.addi %mul3A_0, %arg0 : i32
    %scan3A = arith.constant 0 : i32
    %scan3A_1 = arith.constant 0 : i32
    %scan3A_2 = arith.constant 32 : i32
    %scan3A_3 = arith.addi %scan3A_1, %scan3A_2 : i32
    %scan3A_4 = arith.constant 1 : i32
    %scan3A_5 = scf.for %scan3A_54 = %scan3A_1 to %scan3A_3 step %scan3A_4 iter_args(%scan3A_55 = %scan3A) -> (i32)  : i32 {
      %lt3A = arith.constant 32 : i32
      %lt3A_56 = arith.cmpi slt, %scan3A_54, %lt3A : i32
      %convert_element_type3A_57 = arith.extui %lt3A_56 : i1 to i32
      %cond3A_58 = arith.constant 0 : i32
      %cond3A_59 = arith.cmpi ne, %convert_element_type3A_57, %cond3A_58 : i32
      scf.if %cond3A_59 {
        %broadcast_in_dim3A_66 = arith.constant 0.000000e+00 : f32
        %broadcast_in_dim3A_67 = vector.broadcast %broadcast_in_dim3A_66 : f32 to vector<16xf32>
        %swap3A_68 = arith.index_cast %scan3A_54 : i32 to index
        %swap3A_69 = arith.constant 0 : index
        %swap3A_70 = tpu.vector_load %arg10[%swap3A_68, %swap3A_69] {strides = array<i32>} : memref<32x128xf32, #tpu.memory_space<vmem>>, vector<16xf32>,
        tpu.vector_store %arg10[%swap3A_68, %swap3A_69], %broadcast_in_dim3A_67 {strides = array<i32>} : memref<32x128xf32, #tpu.memory_space<vmem>>, vector<16xf32>,
        %broadcast_in_dim3A_71 = arith.constant 0.000000e+00 : f32
        %broadcast_in_dim3A_72 = vector.broadcast %broadcast_in_dim3A_71 : f32 to vector<16xf32>
        %swap3A_73 = arith.index_cast %scan3A_54 : i32 to index
        %swap3A_74 = arith.constant 16 : index
        %swap3A_75 = tpu.vector_load %arg10[%swap3A_73, %swap3A_74] {strides = array<i32>} : memref<32x128xf32, #tpu.memory_space<vmem>>, vector<16xf32>,
        tpu.vector_store %arg10[%swap3A_73, %swap3A_74], %broadcast_in_dim3A_72 {strides = array<i32>} : memref<32x128xf32, #tpu.memory_space<vmem>>, vector<16xf32>,
        %broadcast_in_dim3A_76 = arith.constant 0.000000e+00 : f32
        %broadcast_in_dim3A_77 = vector.broadcast %broadcast_in_dim3A_76 : f32 to vector<16xf32>
        %swap3A_78 = arith.index_cast %scan3A_54 : i32 to index
        %swap3A_79 = arith.constant 32 : index
        %swap3A_80 = tpu.vector_load %arg10[%swap3A_78, %swap3A_79] {strides = array<i32>} : memref<32x128xf32, #tpu.memory_space<vmem>>, vector<16xf32>,
        tpu.vector_store %arg10[%swap3A_78, %swap3A_79], %broadcast_in_dim3A_77 {strides = array<i32>} : memref<32x128xf32, #tpu.memory_space<vmem>>, vector<16xf32>,
        %broadcast_in_dim3A_81 = arith.constant 0.000000e+00 : f32
        %broadcast_in_dim3A_82 = vector.broadcast %broadcast_in_dim3A_81 : f32 to vector<16xf32>
        %swap3A_83 = arith.index_cast %scan3A_54 : i32 to index
        %swap3A_84 = arith.constant 48 : index
        %swap3A_85 = tpu.vector_load %arg10[%swap3A_83, %swap3A_84] {strides = array<i32>} : memref<32x128xf32, #tpu.memory_space<vmem>>, vector<16xf32>,
        tpu.vector_store %arg10[%swap3A_83, %swap3A_84], %broadcast_in_dim3A_82 {strides = array<i32>} : memref<32x128xf32, #tpu.memory_space<vmem>>, vector<16xf32>,
        %broadcast_in_dim3A_86 = arith.constant 0.000000e+00 : f32
        %broadcast_in_dim3A_87 = vector.broadcast %broadcast_in_dim3A_86 : f32 to vector<16xf32>
        %swap3A_88 = arith.index_cast %scan3A_54 : i32 to index
        %swap3A_89 = arith.constant 64 : index
        %swap3A_90 = tpu.vector_load %arg10[%swap3A_88, %swap3A_89] {strides = array<i32>} : memref<32x128xf32, #tpu.memory_space<vmem>>, vector<16xf32>,
        tpu.vector_store %arg10[%swap3A_88, %swap3A_89], %broadcast_in_dim3A_87 {strides = array<i32>} : memref<32x128xf32, #tpu.memory_space<vmem>>, vector<16xf32>,
        %broadcast_in_dim3A_91 = arith.constant 0.000000e+00 : f32
        %broadcast_in_dim3A_92 = vector.broadcast %broadcast_in_dim3A_91 : f32 to vector<16xf32>
        %swap3A_93 = arith.index_cast %scan3A_54 : i32 to index
        %swap3A_94 = arith.constant 80 : index
        %swap3A_95 = tpu.vector_load %arg10[%swap3A_93, %swap3A_94] {strides = array<i32>} : memref<32x128xf32, #tpu.memory_space<vmem>>, vector<16xf32>,
        tpu.vector_store %arg10[%swap3A_93, %swap3A_94], %broadcast_in_dim3A_92 {strides = array<i32>} : memref<32x128xf32, #tpu.memory_space<vmem>>, vector<16xf32>,
        %broadcast_in_dim3A_96 = arith.constant 0.000000e+00 : f32
        %broadcast_in_dim3A_97 = vector.broadcast %broadcast_in_dim3A_96 : f32 to vector<16xf32>
        %swap3A_98 = arith.index_cast %scan3A_54 : i32 to index
        %swap3A_99 = arith.constant 96 : index
        %swap3A_100 = tpu.vector_load %arg10[%swap3A_98, %swap3A_99] {strides = array<i32>} : memref<32x128xf32, #tpu.memory_space<vmem>>, vector<16xf32>,
        tpu.vector_store %arg10[%swap3A_98, %swap3A_99], %broadcast_in_dim3A_97 {strides = array<i32>} : memref<32x128xf32, #tpu.memory_space<vmem>>, vector<16xf32>,
        %broadcast_in_dim3A_101 = arith.constant 0.000000e+00 : f32
        %broadcast_in_dim3A_102 = vector.broadcast %broadcast_in_dim3A_101 : f32 to vector<16xf32>
        %swap3A_103 = arith.index_cast %scan3A_54 : i32 to index
        %swap3A_104 = arith.constant 112 : index
        %swap3A_105 = tpu.vector_load %arg10[%swap3A_103, %swap3A_104] {strides = array<i32>} : memref<32x128xf32, #tpu.memory_space<vmem>>, vector<16xf32>,
        tpu.vector_store %arg10[%swap3A_103, %swap3A_104], %broadcast_in_dim3A_102 {strides = array<i32>} : memref<32x128xf32, #tpu.memory_space<vmem>>, vector<16xf32>,
      } else {
      }
      %broadcast_in_dim3A_60 = arith.constant 0.000000e+00 : f32
      %broadcast_in_dim3A_61 = vector.broadcast %broadcast_in_dim3A_60 : f32 to vector<16xf32>
      %mul3A_62 = arith.constant 16 : i32
      %mul3A_63 = arith.muli %scan3A_54, %mul3A_62 : i32
      %swap3A = arith.index_cast %mul3A_63 : i32 to index
      %swap3A_64 = tpu.vector_load %arg9[%swap3A] {strides = array<i32>} : memref<512xf32, #tpu.memory_space<vmem>>, vector<16xf32>,
      tpu.vector_store %arg9[%swap3A], %broadcast_in_dim3A_61 {strides = array<i32>} : memref<512xf32, #tpu.memory_space<vmem>>, vector<16xf32>,
      %scan3A_65 = arith.constant 0 : i32
      scf.yield %scan3A_65 : i32
    }
    %scan3A_6 = arith.constant 32 : i32
    %mul3A_7 = arith.constant 32 : i32
    %mul3A_8 = arith.muli %arg1, %mul3A_7 : i32
    "tpu.region"() ({
      %run_scoped3A = tpu.sem_alloc : memref<!tpu.dma_semaphore, #tpu.memory_space<semaphore_mem>>
      %dma_start3A_54 = arith.constant 0 : i32
      %dma_start3A_55 = tpu.memref_slice %arg11[%mul3A_8, %dma_start3A_54] : memref<512x128xf32, #tpu.memory_space<vmem_shared>> -> memref<32x128xf32, #tpu.memory_space<vmem_shared>>
      %dma_start3A_56 = arith.constant 0 : i32
      %dma_start3A_57 = tpu.memref_slice %arg11[%mul3A_8, %dma_start3A_56] : memref<512x128xf32, #tpu.memory_space<vmem_shared>> -> memref<32x128xf32, #tpu.memory_space<vmem_shared>>
      tpu.enqueue_dma source(%arg10 : memref<32x128xf32, #tpu.memory_space<vmem>>) target(%dma_start3A_57 : memref<32x128xf32, #tpu.memory_space<vmem_shared>>) target_semaphore(%run_scoped3A : memref<!tpu.dma_semaphore, #tpu.memory_space<semaphore_mem>>)
      %dma_wait3A = arith.constant 0 : i32
      %dma_wait3A_58 = tpu.memref_slice %arg11[%mul3A_8, %dma_wait3A] : memref<512x128xf32, #tpu.memory_space<vmem_shared>> -> memref<32x128xf32, #tpu.memory_space<vmem_shared>>
      %dma_wait3A_59 = arith.constant 0 : i32
      %dma_wait3A_60 = tpu.memref_slice %arg11[%mul3A_8, %dma_wait3A_59] : memref<512x128xf32, #tpu.memory_space<vmem_shared>> -> memref<32x128xf32, #tpu.memory_space<vmem_shared>>
      tpu.wait_dma2 semaphore(%run_scoped3A : memref<!tpu.dma_semaphore, #tpu.memory_space<semaphore_mem>>) src(%arg10 : memref<32x128xf32, #tpu.memory_space<vmem>>) dst(%dma_wait3A_60 : memref<32x128xf32, #tpu.memory_space<vmem_shared>>)
      tpu.yield
    }) : () -> ()
    %barrier3A = arith.constant 0 : index
    tpu.barrier barrier_id(%barrier3A)
    %broadcast_in_dim3A = arith.constant 1.000000e+00 : f32
    %broadcast_in_dim3A_9 = vector.broadcast %broadcast_in_dim3A : f32 to vector<16xf32>
    %mul3A_10 = arith.constant 128 : i32
    %mul3A_11 = arith.muli %add3A, %mul3A_10 : i32
    %dma_start3A = arith.constant 0 : i32
    %dma_start3A_12 = arith.constant 0 : i32
    %dma_start3A_13 = arith.constant 0 : i32
    %dma_start3A_14 = arith.constant 0 : i32
    %dma_start3A_15 = tpu.memref_slice %arg6[%dma_start3A, %dma_start3A_13, %dma_start3A_14] : memref<2x128x128xf32, #tpu.memory_space<vmem>> -> memref<1x128x128xf32, #tpu.memory_space<vmem>>
    %dma_start3A_16 = tpu.memref_squeeze %dma_start3A_15 : memref<1x128x128xf32, #tpu.memory_space<vmem>> -> memref<128x128xf32, #tpu.memory_space<vmem>>
    %dma_start3A_17 = arith.constant 0 : i32
    %dma_start3A_18 = tpu.memref_slice %arg2[%mul3A_11, %dma_start3A_17] : memref<100000x128xf32, #tpu.memory_space<hbm>> -> memref<128x128xf32, #tpu.memory_space<hbm>>
    %dma_start3A_19 = tpu.memref_slice %arg12[%dma_start3A_12] : memref<2x!tpu.dma_semaphore, #tpu.memory_space<semaphore_mem>> -> memref<1x!tpu.dma_semaphore, #tpu.memory_space<semaphore_mem>>
    %dma_start3A_20 = tpu.memref_squeeze %dma_start3A_19 : memref<1x!tpu.dma_semaphore, #tpu.memory_space<semaphore_mem>> -> memref<!tpu.dma_semaphore, #tpu.memory_space<semaphore_mem>>
    %dma_start3A_21 = arith.constant 0 : i32
    %dma_start3A_22 = arith.constant 0 : i32
    %dma_start3A_23 = tpu.memref_slice %arg6[%dma_start3A, %dma_start3A_21, %dma_start3A_22] : memref<2x128x128xf32, #tpu.memory_space<vmem>> -> memref<1x128x128xf32, #tpu.memory_space<vmem>>
    %dma_start3A_24 = tpu.memref_squeeze %dma_start3A_23 : memref<1x128x128xf32, #tpu.memory_space<vmem>> -> memref<128x128xf32, #tpu.memory_space<vmem>>
    %dma_start3A_25 = arith.constant 0 : i32
    %dma_start3A_26 = tpu.memref_slice %arg2[%mul3A_11, %dma_start3A_25] : memref<100000x128xf32, #tpu.memory_space<hbm>> -> memref<128x128xf32, #tpu.memory_space<hbm>>
    tpu.enqueue_dma source(%dma_start3A_26 : memref<128x128xf32, #tpu.memory_space<hbm>>) target(%dma_start3A_24 : memref<128x128xf32, #tpu.memory_space<vmem>>) target_semaphore(%dma_start3A_20 : memref<!tpu.dma_semaphore, #tpu.memory_space<semaphore_mem>>)
    %dma_start3A_27 = arith.constant 0 : i32
    %dma_start3A_28 = arith.constant 0 : i32
    %dma_start3A_29 = arith.constant 0 : i32
    %dma_start3A_30 = arith.constant 0 : i32
    %dma_start3A_31 = tpu.memref_slice %arg7[%dma_start3A_27, %dma_start3A_28, %dma_start3A_30] : memref<2x1x128xi32, #tpu.memory_space<vmem>> -> memref<1x1x128xi32, #tpu.memory_space<vmem>>
    %dma_start3A_32 = tpu.memref_squeeze %dma_start3A_31 : memref<1x1x128xi32, #tpu.memory_space<vmem>> -> memref<128xi32, #tpu.memory_space<vmem>>
    %dma_start3A_33 = tpu.memref_slice %arg3[%mul3A_11] : memref<100000xi32, #tpu.memory_space<hbm>> -> memref<128xi32, #tpu.memory_space<hbm>>
    %dma_start3A_34 = tpu.memref_slice %arg13[%dma_start3A_29] : memref<2x!tpu.dma_semaphore, #tpu.memory_space<semaphore_mem>> -> memref<1x!tpu.dma_semaphore, #tpu.memory_space<semaphore_mem>>
    %dma_start3A_35 = tpu.memref_squeeze %dma_start3A_34 : memref<1x!tpu.dma_semaphore, #tpu.memory_space<semaphore_mem>> -> memref<!tpu.dma_semaphore, #tpu.memory_space<semaphore_mem>>
    %dma_start3A_36 = arith.constant 0 : i32
    %dma_start3A_37 = tpu.memref_slice %arg7[%dma_start3A_27, %dma_start3A_28, %dma_start3A_36] : memref<2x1x128xi32, #tpu.memory_space<vmem>> -> memref<1x1x128xi32, #tpu.memory_space<vmem>>
    %dma_start3A_38 = tpu.memref_squeeze %dma_start3A_37 : memref<1x1x128xi32, #tpu.memory_space<vmem>> -> memref<128xi32, #tpu.memory_space<vmem>>
    %dma_start3A_39 = tpu.memref_slice %arg3[%mul3A_11] : memref<100000xi32, #tpu.memory_space<hbm>> -> memref<128xi32, #tpu.memory_space<hbm>>
    tpu.enqueue_dma source(%dma_start3A_39 : memref<128xi32, #tpu.memory_space<hbm>>) target(%dma_start3A_38 : memref<128xi32, #tpu.memory_space<vmem>>) target_semaphore(%dma_start3A_35 : memref<!tpu.dma_semaphore, #tpu.memory_space<semaphore_mem>>)
    %scan3A_40 = arith.constant 0 : i32
    %scan3A_41 = arith.constant 0 : i32
    %scan3A_42 = arith.constant 13 : i32
    %scan3A_43 = arith.addi %scan3A_41, %scan3A_42 : i32
    %scan3A_44 = arith.constant 1 : i32
    %scan3A_45 = scf.for %scan3A_54 = %scan3A_41 to %scan3A_43 step %scan3A_44 iter_args(%scan3A_55 = %scan3A_40) -> (i32)  : i32 {
      %mul3A_56 = arith.constant 2 : i32
      %mul3A_57 = arith.muli %scan3A_54, %mul3A_56 : i32
      %add3A_58 = arith.constant 0 : i32
      %add3A_59 = arith.addi %mul3A_57, %add3A_58 : i32
      %mul3A_60 = arith.constant 32 : i32
      %mul3A_61 = arith.muli %add3A_59, %mul3A_60 : i32
      %add3A_62 = arith.addi %add3A, %mul3A_61 : i32
      %add3A_63 = arith.constant 32 : i32
      %add3A_64 = arith.addi %add3A_62, %add3A_63 : i32
      %lt3A = arith.constant 781 : i32
      %lt3A_65 = arith.cmpi slt, %add3A_64, %lt3A : i32
      %convert_element_type3A_66 = arith.extui %lt3A_65 : i1 to i32
      %cond3A_67 = arith.constant 0 : i32
      %cond3A_68 = arith.cmpi ne, %convert_element_type3A_66, %cond3A_67 : i32
      scf.if %cond3A_68 {
        %mul3A_94 = arith.constant 128 : i32
        %mul3A_95 = arith.muli %add3A_64, %mul3A_94 : i32
        %dma_start3A_96 = arith.constant 1 : i32
        %dma_start3A_97 = arith.constant 1 : i32
        %dma_start3A_98 = arith.constant 0 : i32
        %dma_start3A_99 = arith.constant 0 : i32
        %dma_start3A_100 = tpu.memref_slice %arg6[%dma_start3A_96, %dma_start3A_98, %dma_start3A_99] : memref<2x128x128xf32, #tpu.memory_space<vmem>> -> memref<1x128x128xf32, #tpu.memory_space<vmem>>
        %dma_start3A_101 = tpu.memref_squeeze %dma_start3A_100 : memref<1x128x128xf32, #tpu.memory_space<vmem>> -> memref<128x128xf32, #tpu.memory_space<vmem>>
        %dma_start3A_102 = arith.constant 0 : i32
        %dma_start3A_103 = tpu.memref_slice %arg2[%mul3A_95, %dma_start3A_102] : memref<100000x128xf32, #tpu.memory_space<hbm>> -> memref<128x128xf32, #tpu.memory_space<hbm>>
        %dma_start3A_104 = tpu.memref_slice %arg12[%dma_start3A_97] : memref<2x!tpu.dma_semaphore, #tpu.memory_space<semaphore_mem>> -> memref<1x!tpu.dma_semaphore, #tpu.memory_space<semaphore_mem>>
        %dma_start3A_105 = tpu.memref_squeeze %dma_start3A_104 : memref<1x!tpu.dma_semaphore, #tpu.memory_space<semaphore_mem>> -> memref<!tpu.dma_semaphore, #tpu.memory_space<semaphore_mem>>
        %dma_start3A_106 = arith.constant 0 : i32
        %dma_start3A_107 = arith.constant 0 : i32
        %dma_start3A_108 = tpu.memref_slice %arg6[%dma_start3A_96, %dma_start3A_106, %dma_start3A_107] : memref<2x128x128xf32, #tpu.memory_space<vmem>> -> memref<1x128x128xf32, #tpu.memory_space<vmem>>
        %dma_start3A_109 = tpu.memref_squeeze %dma_start3A_108 : memref<1x128x128xf32, #tpu.memory_space<vmem>> -> memref<128x128xf32, #tpu.memory_space<vmem>>
        %dma_start3A_110 = arith.constant 0 : i32
        %dma_start3A_111 = tpu.memref_slice %arg2[%mul3A_95, %dma_start3A_110] : memref<100000x128xf32, #tpu.memory_space<hbm>> -> memref<128x128xf32, #tpu.memory_space<hbm>>
        tpu.enqueue_dma source(%dma_start3A_111 : memref<128x128xf32, #tpu.memory_space<hbm>>) target(%dma_start3A_109 : memref<128x128xf32, #tpu.memory_space<vmem>>) target_semaphore(%dma_start3A_105 : memref<!tpu.dma_semaphore, #tpu.memory_space<semaphore_mem>>)
        %dma_start3A_112 = arith.constant 1 : i32
        %dma_start3A_113 = arith.constant 0 : i32
        %dma_start3A_114 = arith.constant 1 : i32
        %dma_start3A_115 = arith.constant 0 : i32
        %dma_start3A_116 = tpu.memref_slice %arg7[%dma_start3A_112, %dma_start3A_113, %dma_start3A_115] : memref<2x1x128xi32, #tpu.memory_space<vmem>> -> memref<1x1x128xi32, #tpu.memory_space<vmem>>
        %dma_start3A_117 = tpu.memref_squeeze %dma_start3A_116 : memref<1x1x128xi32, #tpu.memory_space<vmem>> -> memref<128xi32, #tpu.memory_space<vmem>>
        %dma_start3A_118 = tpu.memref_slice %arg3[%mul3A_95] : memref<100000xi32, #tpu.memory_space<hbm>> -> memref<128xi32, #tpu.memory_space<hbm>>
        %dma_start3A_119 = tpu.memref_slice %arg13[%dma_start3A_114] : memref<2x!tpu.dma_semaphore, #tpu.memory_space<semaphore_mem>> -> memref<1x!tpu.dma_semaphore, #tpu.memory_space<semaphore_mem>>
        %dma_start3A_120 = tpu.memref_squeeze %dma_start3A_119 : memref<1x!tpu.dma_semaphore, #tpu.memory_space<semaphore_mem>> -> memref<!tpu.dma_semaphore, #tpu.memory_space<semaphore_mem>>
        %dma_start3A_121 = arith.constant 0 : i32
        %dma_start3A_122 = tpu.memref_slice %arg7[%dma_start3A_112, %dma_start3A_113, %dma_start3A_121] : memref<2x1x128xi32, #tpu.memory_space<vmem>> -> memref<1x1x128xi32, #tpu.memory_space<vmem>>
        %dma_start3A_123 = tpu.memref_squeeze %dma_start3A_122 : memref<1x1x128xi32, #tpu.memory_space<vmem>> -> memref<128xi32, #tpu.memory_space<vmem>>
        %dma_start3A_124 = tpu.memref_slice %arg3[%mul3A_95] : memref<100000xi32, #tpu.memory_space<hbm>> -> memref<128xi32, #tpu.memory_space<hbm>>
        tpu.enqueue_dma source(%dma_start3A_124 : memref<128xi32, #tpu.memory_space<hbm>>) target(%dma_start3A_123 : memref<128xi32, #tpu.memory_space<vmem>>) target_semaphore(%dma_start3A_120 : memref<!tpu.dma_semaphore, #tpu.memory_space<semaphore_mem>>)
      } else {
      }
      %lt3A_69 = arith.constant 781 : i32
      %lt3A_70 = arith.cmpi slt, %add3A_62, %lt3A_69 : i32
      %convert_element_type3A_71 = arith.extui %lt3A_70 : i1 to i32
      %cond3A_72 = arith.constant 0 : i32
      %cond3A_73 = arith.cmpi ne, %convert_element_type3A_71, %cond3A_72 : i32
      scf.if %cond3A_73 {
        %mul3A_94 = arith.constant 128 : i32
        %mul3A_95 = arith.muli %add3A_62, %mul3A_94 : i32
        %dma_wait3A = arith.constant 0 : i32
        %dma_wait3A_96 = arith.constant 0 : i32
        %dma_wait3A_97 = arith.constant 0 : i32
        %dma_wait3A_98 = arith.constant 0 : i32
        %dma_wait3A_99 = tpu.memref_slice %arg6[%dma_wait3A, %dma_wait3A_97, %dma_wait3A_98] : memref<2x128x128xf32, #tpu.memory_space<vmem>> -> memref<1x128x128xf32, #tpu.memory_space<vmem>>
        %dma_wait3A_100 = tpu.memref_squeeze %dma_wait3A_99 : memref<1x128x128xf32, #tpu.memory_space<vmem>> -> memref<128x128xf32, #tpu.memory_space<vmem>>
        %dma_wait3A_101 = arith.constant 0 : i32
        %dma_wait3A_102 = tpu.memref_slice %arg2[%mul3A_95, %dma_wait3A_101] : memref<100000x128xf32, #tpu.memory_space<hbm>> -> memref<128x128xf32, #tpu.memory_space<hbm>>
        %dma_wait3A_103 = tpu.memref_slice %arg12[%dma_wait3A_96] : memref<2x!tpu.dma_semaphore, #tpu.memory_space<semaphore_mem>> -> memref<1x!tpu.dma_semaphore, #tpu.memory_space<semaphore_mem>>
        %dma_wait3A_104 = tpu.memref_squeeze %dma_wait3A_103 : memref<1x!tpu.dma_semaphore, #tpu.memory_space<semaphore_mem>> -> memref<!tpu.dma_semaphore, #tpu.memory_space<semaphore_mem>>
        %dma_wait3A_105 = arith.constant 0 : i32
        %dma_wait3A_106 = arith.constant 0 : i32
        %dma_wait3A_107 = tpu.memref_slice %arg6[%dma_wait3A, %dma_wait3A_105, %dma_wait3A_106] : memref<2x128x128xf32, #tpu.memory_space<vmem>> -> memref<1x128x128xf32, #tpu.memory_space<vmem>>
        %dma_wait3A_108 = tpu.memref_squeeze %dma_wait3A_107 : memref<1x128x128xf32, #tpu.memory_space<vmem>> -> memref<128x128xf32, #tpu.memory_space<vmem>>
        %dma_wait3A_109 = arith.constant 0 : i32
        %dma_wait3A_110 = tpu.memref_slice %arg2[%mul3A_95, %dma_wait3A_109] : memref<100000x128xf32, #tpu.memory_space<hbm>> -> memref<128x128xf32, #tpu.memory_space<hbm>>
        tpu.wait_dma2 semaphore(%dma_wait3A_104 : memref<!tpu.dma_semaphore, #tpu.memory_space<semaphore_mem>>) src(%dma_wait3A_110 : memref<128x128xf32, #tpu.memory_space<hbm>>) dst(%dma_wait3A_108 : memref<128x128xf32, #tpu.memory_space<vmem>>)
        %dma_wait3A_111 = arith.constant 0 : i32
        %dma_wait3A_112 = arith.constant 0 : i32
        %dma_wait3A_113 = arith.constant 0 : i32
        %dma_wait3A_114 = arith.constant 0 : i32
        %dma_wait3A_115 = tpu.memref_slice %arg7[%dma_wait3A_111, %dma_wait3A_112, %dma_wait3A_114] : memref<2x1x128xi32, #tpu.memory_space<vmem>> -> memref<1x1x128xi32, #tpu.memory_space<vmem>>
        %dma_wait3A_116 = tpu.memref_squeeze %dma_wait3A_115 : memref<1x1x128xi32, #tpu.memory_space<vmem>> -> memref<128xi32, #tpu.memory_space<vmem>>
        %dma_wait3A_117 = tpu.memref_slice %arg3[%mul3A_95] : memref<100000xi32, #tpu.memory_space<hbm>> -> memref<128xi32, #tpu.memory_space<hbm>>
        %dma_wait3A_118 = tpu.memref_slice %arg13[%dma_wait3A_113] : memref<2x!tpu.dma_semaphore, #tpu.memory_space<semaphore_mem>> -> memref<1x!tpu.dma_semaphore, #tpu.memory_space<semaphore_mem>>
        %dma_wait3A_119 = tpu.memref_squeeze %dma_wait3A_118 : memref<1x!tpu.dma_semaphore, #tpu.memory_space<semaphore_mem>> -> memref<!tpu.dma_semaphore, #tpu.memory_space<semaphore_mem>>
        %dma_wait3A_120 = arith.constant 0 : i32
        %dma_wait3A_121 = tpu.memref_slice %arg7[%dma_wait3A_111, %dma_wait3A_112, %dma_wait3A_120] : memref<2x1x128xi32, #tpu.memory_space<vmem>> -> memref<1x1x128xi32, #tpu.memory_space<vmem>>
        %dma_wait3A_122 = tpu.memref_squeeze %dma_wait3A_121 : memref<1x1x128xi32, #tpu.memory_space<vmem>> -> memref<128xi32, #tpu.memory_space<vmem>>
        %dma_wait3A_123 = tpu.memref_slice %arg3[%mul3A_95] : memref<100000xi32, #tpu.memory_space<hbm>> -> memref<128xi32, #tpu.memory_space<hbm>>
        tpu.wait_dma2 semaphore(%dma_wait3A_119 : memref<!tpu.dma_semaphore, #tpu.memory_space<semaphore_mem>>) src(%dma_wait3A_123 : memref<128xi32, #tpu.memory_space<hbm>>) dst(%dma_wait3A_122 : memref<128xi32, #tpu.memory_space<vmem>>)
        %run_scoped3A = arith.constant 0 : i32
        %run_scoped3A_124 = arith.constant 0 : i32
        %run_scoped3A_125 = arith.constant 0 : i32
        "tpu.region"() ({
          %run_scoped3A_181 = tpu.sem_alloc : memref<!tpu.dma_semaphore, #tpu.memory_space<semaphore_mem>>
          %dma_start3A_182 = arith.constant 0 : i32
          %dma_start3A_183 = arith.constant 0 : i32
          %dma_start3A_184 = tpu.memref_slice %arg6[%run_scoped3A, %dma_start3A_182, %dma_start3A_183] : memref<2x128x128xf32, #tpu.memory_space<vmem>> -> memref<1x128x128xf32, #tpu.memory_space<vmem>>
          %dma_start3A_185 = tpu.memref_squeeze %dma_start3A_184 : memref<1x128x128xf32, #tpu.memory_space<vmem>> -> memref<128x128xf32, #tpu.memory_space<vmem>>
          %dma_start3A_186 = arith.constant 0 : i32
          %dma_start3A_187 = tpu.memref_slice %arg7[%run_scoped3A_124, %run_scoped3A_125, %dma_start3A_186] : memref<2x1x128xi32, #tpu.memory_space<vmem>> -> memref<1x1x128xi32, #tpu.memory_space<vmem>>
          %dma_start3A_188 = tpu.memref_squeeze %dma_start3A_187 : memref<1x1x128xi32, #tpu.memory_space<vmem>> -> memref<128xi32, #tpu.memory_space<vmem>>
          %dma_start3A_189 = arith.constant 0 : i32
          %dma_start3A_190 = arith.constant 0 : i32
          %dma_start3A_191 = tpu.memref_slice %arg11[%dma_start3A_189, %dma_start3A_190] : memref<512x128xf32, #tpu.memory_space<vmem_shared>> -> memref<512x128xf32, #tpu.memory_space<vmem_shared>>
          tpu.enqueue_indirect_dma source(%dma_start3A_185 : memref<128x128xf32, #tpu.memory_space<vmem>>) target(%dma_start3A_191 : memref<512x128xf32, #tpu.memory_space<vmem_shared>>) offsets(%dma_start3A_188 : memref<128xi32, #tpu.memory_space<vmem>>) semaphore(%run_scoped3A_181 : memref<!tpu.dma_semaphore, #tpu.memory_space<semaphore_mem>>) {add = true}
          %dma_wait3A_192 = arith.constant 0 : i32
          %dma_wait3A_193 = arith.constant 0 : i32
          %dma_wait3A_194 = tpu.memref_slice %arg6[%run_scoped3A, %dma_wait3A_192, %dma_wait3A_193] : memref<2x128x128xf32, #tpu.memory_space<vmem>> -> memref<1x128x128xf32, #tpu.memory_space<vmem>>
          %dma_wait3A_195 = tpu.memref_squeeze %dma_wait3A_194 : memref<1x128x128xf32, #tpu.memory_space<vmem>> -> memref<128x128xf32, #tpu.memory_space<vmem>>
          %dma_wait3A_196 = arith.constant 0 : i32
          %dma_wait3A_197 = tpu.memref_slice %arg7[%run_scoped3A_124, %run_scoped3A_125, %dma_wait3A_196] : memref<2x1x128xi32, #tpu.memory_space<vmem>> -> memref<1x1x128xi32, #tpu.memory_space<vmem>>
          %dma_wait3A_198 = tpu.memref_squeeze %dma_wait3A_197 : memref<1x1x128xi32, #tpu.memory_space<vmem>> -> memref<128xi32, #tpu.memory_space<vmem>>
          %dma_wait3A_199 = arith.constant 0 : i32
          %dma_wait3A_200 = arith.constant 0 : i32
          %dma_wait3A_201 = tpu.memref_slice %arg11[%dma_wait3A_199, %dma_wait3A_200] : memref<512x128xf32, #tpu.memory_space<vmem_shared>> -> memref<512x128xf32, #tpu.memory_space<vmem_shared>>
          tpu.wait_indirect_dma semaphore(%run_scoped3A_181 : memref<!tpu.dma_semaphore, #tpu.memory_space<semaphore_mem>>) src(%dma_wait3A_195 : memref<128x128xf32, #tpu.memory_space<vmem>>) dst(%dma_wait3A_201 : memref<512x128xf32, #tpu.memory_space<vmem_shared>>)
          tpu.yield
        }) : () -> ()
        %get3A = arith.constant 0 : i32
        %get3A_126 = arith.constant 0 : i32
        %get3A_127 = arith.constant 0 : i32
        %get3A_128 = tpu.memref_slice %arg7[%get3A, %get3A_126, %get3A_127] : memref<2x1x128xi32, #tpu.memory_space<vmem>> -> memref<1x1x128xi32, #tpu.memory_space<vmem>>
        %get3A_129 = tpu.memref_squeeze %get3A_128 : memref<1x1x128xi32, #tpu.memory_space<vmem>> -> memref<128xi32, #tpu.memory_space<vmem>>
        %get3A_130 = arith.constant 0 : index
        %get3A_131 = tpu.vector_load %get3A_129[%get3A_130] {strides = array<i32>} : memref<128xi32, #tpu.memory_space<vmem>>, vector<16xi32>,
        tpu.vector_store_idx %arg9[%get3A_131], %broadcast_in_dim3A_9 {add = true} : memref<512xf32, #tpu.memory_space<vmem>>[vector<16xi32>], vector<16xf32>,
        %get3A_132 = arith.constant 0 : i32
        %get3A_133 = arith.constant 0 : i32
        %get3A_134 = arith.constant 0 : i32
        %get3A_135 = tpu.memref_slice %arg7[%get3A_132, %get3A_133, %get3A_134] : memref<2x1x128xi32, #tpu.memory_space<vmem>> -> memref<1x1x128xi32, #tpu.memory_space<vmem>>
        %get3A_136 = tpu.memref_squeeze %get3A_135 : memref<1x1x128xi32, #tpu.memory_space<vmem>> -> memref<128xi32, #tpu.memory_space<vmem>>
        %get3A_137 = arith.constant 16 : index
        %get3A_138 = tpu.vector_load %get3A_136[%get3A_137] {strides = array<i32>} : memref<128xi32, #tpu.memory_space<vmem>>, vector<16xi32>,
        tpu.vector_store_idx %arg9[%get3A_138], %broadcast_in_dim3A_9 {add = true} : memref<512xf32, #tpu.memory_space<vmem>>[vector<16xi32>], vector<16xf32>,
        %get3A_139 = arith.constant 0 : i32
        %get3A_140 = arith.constant 0 : i32
        %get3A_141 = arith.constant 0 : i32
        %get3A_142 = tpu.memref_slice %arg7[%get3A_139, %get3A_140, %get3A_141] : memref<2x1x128xi32, #tpu.memory_space<vmem>> -> memref<1x1x128xi32, #tpu.memory_space<vmem>>
        %get3A_143 = tpu.memref_squeeze %get3A_142 : memref<1x1x128xi32, #tpu.memory_space<vmem>> -> memref<128xi32, #tpu.memory_space<vmem>>
        %get3A_144 = arith.constant 32 : index
        %get3A_145 = tpu.vector_load %get3A_143[%get3A_144] {strides = array<i32>} : memref<128xi32, #tpu.memory_space<vmem>>, vector<16xi32>,
        tpu.vector_store_idx %arg9[%get3A_145], %broadcast_in_dim3A_9 {add = true} : memref<512xf32, #tpu.memory_space<vmem>>[vector<16xi32>], vector<16xf32>,
        %get3A_146 = arith.constant 0 : i32
        %get3A_147 = arith.constant 0 : i32
        %get3A_148 = arith.constant 0 : i32
        %get3A_149 = tpu.memref_slice %arg7[%get3A_146, %get3A_147, %get3A_148] : memref<2x1x128xi32, #tpu.memory_space<vmem>> -> memref<1x1x128xi32, #tpu.memory_space<vmem>>
        %get3A_150 = tpu.memref_squeeze %get3A_149 : memref<1x1x128xi32, #tpu.memory_space<vmem>> -> memref<128xi32, #tpu.memory_space<vmem>>
        %get3A_151 = arith.constant 48 : index
        %get3A_152 = tpu.vector_load %get3A_150[%get3A_151] {strides = array<i32>} : memref<128xi32, #tpu.memory_space<vmem>>, vector<16xi32>,
        tpu.vector_store_idx %arg9[%get3A_152], %broadcast_in_dim3A_9 {add = true} : memref<512xf32, #tpu.memory_space<vmem>>[vector<16xi32>], vector<16xf32>,
        %get3A_153 = arith.constant 0 : i32
        %get3A_154 = arith.constant 0 : i32
        %get3A_155 = arith.constant 0 : i32
        %get3A_156 = tpu.memref_slice %arg7[%get3A_153, %get3A_154, %get3A_155] : memref<2x1x128xi32, #tpu.memory_space<vmem>> -> memref<1x1x128xi32, #tpu.memory_space<vmem>>
        %get3A_157 = tpu.memref_squeeze %get3A_156 : memref<1x1x128xi32, #tpu.memory_space<vmem>> -> memref<128xi32, #tpu.memory_space<vmem>>
        %get3A_158 = arith.constant 64 : index
        %get3A_159 = tpu.vector_load %get3A_157[%get3A_158] {strides = array<i32>} : memref<128xi32, #tpu.memory_space<vmem>>, vector<16xi32>,
        tpu.vector_store_idx %arg9[%get3A_159], %broadcast_in_dim3A_9 {add = true} : memref<512xf32, #tpu.memory_space<vmem>>[vector<16xi32>], vector<16xf32>,
        %get3A_160 = arith.constant 0 : i32
        %get3A_161 = arith.constant 0 : i32
        %get3A_162 = arith.constant 0 : i32
        %get3A_163 = tpu.memref_slice %arg7[%get3A_160, %get3A_161, %get3A_162] : memref<2x1x128xi32, #tpu.memory_space<vmem>> -> memref<1x1x128xi32, #tpu.memory_space<vmem>>
        %get3A_164 = tpu.memref_squeeze %get3A_163 : memref<1x1x128xi32, #tpu.memory_space<vmem>> -> memref<128xi32, #tpu.memory_space<vmem>>
        %get3A_165 = arith.constant 80 : index
        %get3A_166 = tpu.vector_load %get3A_164[%get3A_165] {strides = array<i32>} : memref<128xi32, #tpu.memory_space<vmem>>, vector<16xi32>,
        tpu.vector_store_idx %arg9[%get3A_166], %broadcast_in_dim3A_9 {add = true} : memref<512xf32, #tpu.memory_space<vmem>>[vector<16xi32>], vector<16xf32>,
        %get3A_167 = arith.constant 0 : i32
        %get3A_168 = arith.constant 0 : i32
        %get3A_169 = arith.constant 0 : i32
        %get3A_170 = tpu.memref_slice %arg7[%get3A_167, %get3A_168, %get3A_169] : memref<2x1x128xi32, #tpu.memory_space<vmem>> -> memref<1x1x128xi32, #tpu.memory_space<vmem>>
        %get3A_171 = tpu.memref_squeeze %get3A_170 : memref<1x1x128xi32, #tpu.memory_space<vmem>> -> memref<128xi32, #tpu.memory_space<vmem>>
        %get3A_172 = arith.constant 96 : index
        %get3A_173 = tpu.vector_load %get3A_171[%get3A_172] {strides = array<i32>} : memref<128xi32, #tpu.memory_space<vmem>>, vector<16xi32>,
        tpu.vector_store_idx %arg9[%get3A_173], %broadcast_in_dim3A_9 {add = true} : memref<512xf32, #tpu.memory_space<vmem>>[vector<16xi32>], vector<16xf32>,
        %get3A_174 = arith.constant 0 : i32
        %get3A_175 = arith.constant 0 : i32
        %get3A_176 = arith.constant 0 : i32
        %get3A_177 = tpu.memref_slice %arg7[%get3A_174, %get3A_175, %get3A_176] : memref<2x1x128xi32, #tpu.memory_space<vmem>> -> memref<1x1x128xi32, #tpu.memory_space<vmem>>
        %get3A_178 = tpu.memref_squeeze %get3A_177 : memref<1x1x128xi32, #tpu.memory_space<vmem>> -> memref<128xi32, #tpu.memory_space<vmem>>
        %get3A_179 = arith.constant 112 : index
        %get3A_180 = tpu.vector_load %get3A_178[%get3A_179] {strides = array<i32>} : memref<128xi32, #tpu.memory_space<vmem>>, vector<16xi32>,
        tpu.vector_store_idx %arg9[%get3A_180], %broadcast_in_dim3A_9 {add = true} : memref<512xf32, #tpu.memory_space<vmem>>[vector<16xi32>], vector<16xf32>,
      } else {
      }
      %mul3A_74 = arith.constant 2 : i32
      %mul3A_75 = arith.muli %scan3A_54, %mul3A_74 : i32
      %add3A_76 = arith.constant 1 : i32
      %add3A_77 = arith.addi %mul3A_75, %add3A_76 : i32
      %mul3A_78 = arith.constant 32 : i32
      %mul3A_79 = arith.muli %add3A_77, %mul3A_78 : i32
      %add3A_80 = arith.addi %add3A, %mul3A_79 : i32
      %add3A_81 = arith.constant 32 : i32
      %add3A_82 = arith.addi %add3A_80, %add3A_81 : i32
      %lt3A_83 = arith.constant 781 : i32
      %lt3A_84 = arith.cmpi slt, %add3A_82, %lt3A_83 : i32
      %convert_element_type3A_85 = arith.extui %lt3A_84 : i1 to i32
      %cond3A_86 = arith.constant 0 : i32
      %cond3A_87 = arith.cmpi ne, %convert_element_type3A_85, %cond3A_86 : i32
      scf.if %cond3A_87 {
        %mul3A_94 = arith.constant 128 : i32
        %mul3A_95 = arith.muli %add3A_82, %mul3A_94 : i32
        %dma_start3A_96 = arith.constant 0 : i32
        %dma_start3A_97 = arith.constant 0 : i32
        %dma_start3A_98 = arith.constant 0 : i32
        %dma_start3A_99 = arith.constant 0 : i32
        %dma_start3A_100 = tpu.memref_slice %arg6[%dma_start3A_96, %dma_start3A_98, %dma_start3A_99] : memref<2x128x128xf32, #tpu.memory_space<vmem>> -> memref<1x128x128xf32, #tpu.memory_space<vmem>>
        %dma_start3A_101 = tpu.memref_squeeze %dma_start3A_100 : memref<1x128x128xf32, #tpu.memory_space<vmem>> -> memref<128x128xf32, #tpu.memory_space<vmem>>
        %dma_start3A_102 = arith.constant 0 : i32
        %dma_start3A_103 = tpu.memref_slice %arg2[%mul3A_95, %dma_start3A_102] : memref<100000x128xf32, #tpu.memory_space<hbm>> -> memref<128x128xf32, #tpu.memory_space<hbm>>
        %dma_start3A_104 = tpu.memref_slice %arg12[%dma_start3A_97] : memref<2x!tpu.dma_semaphore, #tpu.memory_space<semaphore_mem>> -> memref<1x!tpu.dma_semaphore, #tpu.memory_space<semaphore_mem>>
        %dma_start3A_105 = tpu.memref_squeeze %dma_start3A_104 : memref<1x!tpu.dma_semaphore, #tpu.memory_space<semaphore_mem>> -> memref<!tpu.dma_semaphore, #tpu.memory_space<semaphore_mem>>
        %dma_start3A_106 = arith.constant 0 : i32
        %dma_start3A_107 = arith.constant 0 : i32
        %dma_start3A_108 = tpu.memref_slice %arg6[%dma_start3A_96, %dma_start3A_106, %dma_start3A_107] : memref<2x128x128xf32, #tpu.memory_space<vmem>> -> memref<1x128x128xf32, #tpu.memory_space<vmem>>
        %dma_start3A_109 = tpu.memref_squeeze %dma_start3A_108 : memref<1x128x128xf32, #tpu.memory_space<vmem>> -> memref<128x128xf32, #tpu.memory_space<vmem>>
        %dma_start3A_110 = arith.constant 0 : i32
        %dma_start3A_111 = tpu.memref_slice %arg2[%mul3A_95, %dma_start3A_110] : memref<100000x128xf32, #tpu.memory_space<hbm>> -> memref<128x128xf32, #tpu.memory_space<hbm>>
        tpu.enqueue_dma source(%dma_start3A_111 : memref<128x128xf32, #tpu.memory_space<hbm>>) target(%dma_start3A_109 : memref<128x128xf32, #tpu.memory_space<vmem>>) target_semaphore(%dma_start3A_105 : memref<!tpu.dma_semaphore, #tpu.memory_space<semaphore_mem>>)
        %dma_start3A_112 = arith.constant 0 : i32
        %dma_start3A_113 = arith.constant 0 : i32
        %dma_start3A_114 = arith.constant 0 : i32
        %dma_start3A_115 = arith.constant 0 : i32
        %dma_start3A_116 = tpu.memref_slice %arg7[%dma_start3A_112, %dma_start3A_113, %dma_start3A_115] : memref<2x1x128xi32, #tpu.memory_space<vmem>> -> memref<1x1x128xi32, #tpu.memory_space<vmem>>
        %dma_start3A_117 = tpu.memref_squeeze %dma_start3A_116 : memref<1x1x128xi32, #tpu.memory_space<vmem>> -> memref<128xi32, #tpu.memory_space<vmem>>
        %dma_start3A_118 = tpu.memref_slice %arg3[%mul3A_95] : memref<100000xi32, #tpu.memory_space<hbm>> -> memref<128xi32, #tpu.memory_space<hbm>>
        %dma_start3A_119 = tpu.memref_slice %arg13[%dma_start3A_114] : memref<2x!tpu.dma_semaphore, #tpu.memory_space<semaphore_mem>> -> memref<1x!tpu.dma_semaphore, #tpu.memory_space<semaphore_mem>>
        %dma_start3A_120 = tpu.memref_squeeze %dma_start3A_119 : memref<1x!tpu.dma_semaphore, #tpu.memory_space<semaphore_mem>> -> memref<!tpu.dma_semaphore, #tpu.memory_space<semaphore_mem>>
        %dma_start3A_121 = arith.constant 0 : i32
        %dma_start3A_122 = tpu.memref_slice %arg7[%dma_start3A_112, %dma_start3A_113, %dma_start3A_121] : memref<2x1x128xi32, #tpu.memory_space<vmem>> -> memref<1x1x128xi32, #tpu.memory_space<vmem>>
        %dma_start3A_123 = tpu.memref_squeeze %dma_start3A_122 : memref<1x1x128xi32, #tpu.memory_space<vmem>> -> memref<128xi32, #tpu.memory_space<vmem>>
        %dma_start3A_124 = tpu.memref_slice %arg3[%mul3A_95] : memref<100000xi32, #tpu.memory_space<hbm>> -> memref<128xi32, #tpu.memory_space<hbm>>
        tpu.enqueue_dma source(%dma_start3A_124 : memref<128xi32, #tpu.memory_space<hbm>>) target(%dma_start3A_123 : memref<128xi32, #tpu.memory_space<vmem>>) target_semaphore(%dma_start3A_120 : memref<!tpu.dma_semaphore, #tpu.memory_space<semaphore_mem>>)
      } else {
      }
      %lt3A_88 = arith.constant 781 : i32
      %lt3A_89 = arith.cmpi slt, %add3A_80, %lt3A_88 : i32
      %convert_element_type3A_90 = arith.extui %lt3A_89 : i1 to i32
      %cond3A_91 = arith.constant 0 : i32
      %cond3A_92 = arith.cmpi ne, %convert_element_type3A_90, %cond3A_91 : i32
      scf.if %cond3A_92 {
        %mul3A_94 = arith.constant 128 : i32
        %mul3A_95 = arith.muli %add3A_80, %mul3A_94 : i32
        %dma_wait3A = arith.constant 1 : i32
        %dma_wait3A_96 = arith.constant 1 : i32
        %dma_wait3A_97 = arith.constant 0 : i32
        %dma_wait3A_98 = arith.constant 0 : i32
        %dma_wait3A_99 = tpu.memref_slice %arg6[%dma_wait3A, %dma_wait3A_97, %dma_wait3A_98] : memref<2x128x128xf32, #tpu.memory_space<vmem>> -> memref<1x128x128xf32, #tpu.memory_space<vmem>>
        %dma_wait3A_100 = tpu.memref_squeeze %dma_wait3A_99 : memref<1x128x128xf32, #tpu.memory_space<vmem>> -> memref<128x128xf32, #tpu.memory_space<vmem>>
        %dma_wait3A_101 = arith.constant 0 : i32
        %dma_wait3A_102 = tpu.memref_slice %arg2[%mul3A_95, %dma_wait3A_101] : memref<100000x128xf32, #tpu.memory_space<hbm>> -> memref<128x128xf32, #tpu.memory_space<hbm>>
        %dma_wait3A_103 = tpu.memref_slice %arg12[%dma_wait3A_96] : memref<2x!tpu.dma_semaphore, #tpu.memory_space<semaphore_mem>> -> memref<1x!tpu.dma_semaphore, #tpu.memory_space<semaphore_mem>>
        %dma_wait3A_104 = tpu.memref_squeeze %dma_wait3A_103 : memref<1x!tpu.dma_semaphore, #tpu.memory_space<semaphore_mem>> -> memref<!tpu.dma_semaphore, #tpu.memory_space<semaphore_mem>>
        %dma_wait3A_105 = arith.constant 0 : i32
        %dma_wait3A_106 = arith.constant 0 : i32
        %dma_wait3A_107 = tpu.memref_slice %arg6[%dma_wait3A, %dma_wait3A_105, %dma_wait3A_106] : memref<2x128x128xf32, #tpu.memory_space<vmem>> -> memref<1x128x128xf32, #tpu.memory_space<vmem>>
        %dma_wait3A_108 = tpu.memref_squeeze %dma_wait3A_107 : memref<1x128x128xf32, #tpu.memory_space<vmem>> -> memref<128x128xf32, #tpu.memory_space<vmem>>
        %dma_wait3A_109 = arith.constant 0 : i32
        %dma_wait3A_110 = tpu.memref_slice %arg2[%mul3A_95, %dma_wait3A_109] : memref<100000x128xf32, #tpu.memory_space<hbm>> -> memref<128x128xf32, #tpu.memory_space<hbm>>
        tpu.wait_dma2 semaphore(%dma_wait3A_104 : memref<!tpu.dma_semaphore, #tpu.memory_space<semaphore_mem>>) src(%dma_wait3A_110 : memref<128x128xf32, #tpu.memory_space<hbm>>) dst(%dma_wait3A_108 : memref<128x128xf32, #tpu.memory_space<vmem>>)
        %dma_wait3A_111 = arith.constant 1 : i32
        %dma_wait3A_112 = arith.constant 0 : i32
        %dma_wait3A_113 = arith.constant 1 : i32
        %dma_wait3A_114 = arith.constant 0 : i32
        %dma_wait3A_115 = tpu.memref_slice %arg7[%dma_wait3A_111, %dma_wait3A_112, %dma_wait3A_114] : memref<2x1x128xi32, #tpu.memory_space<vmem>> -> memref<1x1x128xi32, #tpu.memory_space<vmem>>
        %dma_wait3A_116 = tpu.memref_squeeze %dma_wait3A_115 : memref<1x1x128xi32, #tpu.memory_space<vmem>> -> memref<128xi32, #tpu.memory_space<vmem>>
        %dma_wait3A_117 = tpu.memref_slice %arg3[%mul3A_95] : memref<100000xi32, #tpu.memory_space<hbm>> -> memref<128xi32, #tpu.memory_space<hbm>>
        %dma_wait3A_118 = tpu.memref_slice %arg13[%dma_wait3A_113] : memref<2x!tpu.dma_semaphore, #tpu.memory_space<semaphore_mem>> -> memref<1x!tpu.dma_semaphore, #tpu.memory_space<semaphore_mem>>
        %dma_wait3A_119 = tpu.memref_squeeze %dma_wait3A_118 : memref<1x!tpu.dma_semaphore, #tpu.memory_space<semaphore_mem>> -> memref<!tpu.dma_semaphore, #tpu.memory_space<semaphore_mem>>
        %dma_wait3A_120 = arith.constant 0 : i32
        %dma_wait3A_121 = tpu.memref_slice %arg7[%dma_wait3A_111, %dma_wait3A_112, %dma_wait3A_120] : memref<2x1x128xi32, #tpu.memory_space<vmem>> -> memref<1x1x128xi32, #tpu.memory_space<vmem>>
        %dma_wait3A_122 = tpu.memref_squeeze %dma_wait3A_121 : memref<1x1x128xi32, #tpu.memory_space<vmem>> -> memref<128xi32, #tpu.memory_space<vmem>>
        %dma_wait3A_123 = tpu.memref_slice %arg3[%mul3A_95] : memref<100000xi32, #tpu.memory_space<hbm>> -> memref<128xi32, #tpu.memory_space<hbm>>
        tpu.wait_dma2 semaphore(%dma_wait3A_119 : memref<!tpu.dma_semaphore, #tpu.memory_space<semaphore_mem>>) src(%dma_wait3A_123 : memref<128xi32, #tpu.memory_space<hbm>>) dst(%dma_wait3A_122 : memref<128xi32, #tpu.memory_space<vmem>>)
        %run_scoped3A = arith.constant 1 : i32
        %run_scoped3A_124 = arith.constant 1 : i32
        %run_scoped3A_125 = arith.constant 0 : i32
        "tpu.region"() ({
          %run_scoped3A_181 = tpu.sem_alloc : memref<!tpu.dma_semaphore, #tpu.memory_space<semaphore_mem>>
          %dma_start3A_182 = arith.constant 0 : i32
          %dma_start3A_183 = arith.constant 0 : i32
          %dma_start3A_184 = tpu.memref_slice %arg6[%run_scoped3A, %dma_start3A_182, %dma_start3A_183] : memref<2x128x128xf32, #tpu.memory_space<vmem>> -> memref<1x128x128xf32, #tpu.memory_space<vmem>>
          %dma_start3A_185 = tpu.memref_squeeze %dma_start3A_184 : memref<1x128x128xf32, #tpu.memory_space<vmem>> -> memref<128x128xf32, #tpu.memory_space<vmem>>
          %dma_start3A_186 = arith.constant 0 : i32
          %dma_start3A_187 = tpu.memref_slice %arg7[%run_scoped3A_124, %run_scoped3A_125, %dma_start3A_186] : memref<2x1x128xi32, #tpu.memory_space<vmem>> -> memref<1x1x128xi32, #tpu.memory_space<vmem>>
          %dma_start3A_188 = tpu.memref_squeeze %dma_start3A_187 : memref<1x1x128xi32, #tpu.memory_space<vmem>> -> memref<128xi32, #tpu.memory_space<vmem>>
          %dma_start3A_189 = arith.constant 0 : i32
          %dma_start3A_190 = arith.constant 0 : i32
          %dma_start3A_191 = tpu.memref_slice %arg11[%dma_start3A_189, %dma_start3A_190] : memref<512x128xf32, #tpu.memory_space<vmem_shared>> -> memref<512x128xf32, #tpu.memory_space<vmem_shared>>
          tpu.enqueue_indirect_dma source(%dma_start3A_185 : memref<128x128xf32, #tpu.memory_space<vmem>>) target(%dma_start3A_191 : memref<512x128xf32, #tpu.memory_space<vmem_shared>>) offsets(%dma_start3A_188 : memref<128xi32, #tpu.memory_space<vmem>>) semaphore(%run_scoped3A_181 : memref<!tpu.dma_semaphore, #tpu.memory_space<semaphore_mem>>) {add = true}
          %dma_wait3A_192 = arith.constant 0 : i32
          %dma_wait3A_193 = arith.constant 0 : i32
          %dma_wait3A_194 = tpu.memref_slice %arg6[%run_scoped3A, %dma_wait3A_192, %dma_wait3A_193] : memref<2x128x128xf32, #tpu.memory_space<vmem>> -> memref<1x128x128xf32, #tpu.memory_space<vmem>>
          %dma_wait3A_195 = tpu.memref_squeeze %dma_wait3A_194 : memref<1x128x128xf32, #tpu.memory_space<vmem>> -> memref<128x128xf32, #tpu.memory_space<vmem>>
          %dma_wait3A_196 = arith.constant 0 : i32
          %dma_wait3A_197 = tpu.memref_slice %arg7[%run_scoped3A_124, %run_scoped3A_125, %dma_wait3A_196] : memref<2x1x128xi32, #tpu.memory_space<vmem>> -> memref<1x1x128xi32, #tpu.memory_space<vmem>>
          %dma_wait3A_198 = tpu.memref_squeeze %dma_wait3A_197 : memref<1x1x128xi32, #tpu.memory_space<vmem>> -> memref<128xi32, #tpu.memory_space<vmem>>
          %dma_wait3A_199 = arith.constant 0 : i32
          %dma_wait3A_200 = arith.constant 0 : i32
          %dma_wait3A_201 = tpu.memref_slice %arg11[%dma_wait3A_199, %dma_wait3A_200] : memref<512x128xf32, #tpu.memory_space<vmem_shared>> -> memref<512x128xf32, #tpu.memory_space<vmem_shared>>
          tpu.wait_indirect_dma semaphore(%run_scoped3A_181 : memref<!tpu.dma_semaphore, #tpu.memory_space<semaphore_mem>>) src(%dma_wait3A_195 : memref<128x128xf32, #tpu.memory_space<vmem>>) dst(%dma_wait3A_201 : memref<512x128xf32, #tpu.memory_space<vmem_shared>>)
          tpu.yield
        }) : () -> ()
        %get3A = arith.constant 1 : i32
        %get3A_126 = arith.constant 0 : i32
        %get3A_127 = arith.constant 0 : i32
        %get3A_128 = tpu.memref_slice %arg7[%get3A, %get3A_126, %get3A_127] : memref<2x1x128xi32, #tpu.memory_space<vmem>> -> memref<1x1x128xi32, #tpu.memory_space<vmem>>
        %get3A_129 = tpu.memref_squeeze %get3A_128 : memref<1x1x128xi32, #tpu.memory_space<vmem>> -> memref<128xi32, #tpu.memory_space<vmem>>
        %get3A_130 = arith.constant 0 : index
        %get3A_131 = tpu.vector_load %get3A_129[%get3A_130] {strides = array<i32>} : memref<128xi32, #tpu.memory_space<vmem>>, vector<16xi32>,
        tpu.vector_store_idx %arg9[%get3A_131], %broadcast_in_dim3A_9 {add = true} : memref<512xf32, #tpu.memory_space<vmem>>[vector<16xi32>], vector<16xf32>,
        %get3A_132 = arith.constant 1 : i32
        %get3A_133 = arith.constant 0 : i32
        %get3A_134 = arith.constant 0 : i32
        %get3A_135 = tpu.memref_slice %arg7[%get3A_132, %get3A_133, %get3A_134] : memref<2x1x128xi32, #tpu.memory_space<vmem>> -> memref<1x1x128xi32, #tpu.memory_space<vmem>>
        %get3A_136 = tpu.memref_squeeze %get3A_135 : memref<1x1x128xi32, #tpu.memory_space<vmem>> -> memref<128xi32, #tpu.memory_space<vmem>>
        %get3A_137 = arith.constant 16 : index
        %get3A_138 = tpu.vector_load %get3A_136[%get3A_137] {strides = array<i32>} : memref<128xi32, #tpu.memory_space<vmem>>, vector<16xi32>,
        tpu.vector_store_idx %arg9[%get3A_138], %broadcast_in_dim3A_9 {add = true} : memref<512xf32, #tpu.memory_space<vmem>>[vector<16xi32>], vector<16xf32>,
        %get3A_139 = arith.constant 1 : i32
        %get3A_140 = arith.constant 0 : i32
        %get3A_141 = arith.constant 0 : i32
        %get3A_142 = tpu.memref_slice %arg7[%get3A_139, %get3A_140, %get3A_141] : memref<2x1x128xi32, #tpu.memory_space<vmem>> -> memref<1x1x128xi32, #tpu.memory_space<vmem>>
        %get3A_143 = tpu.memref_squeeze %get3A_142 : memref<1x1x128xi32, #tpu.memory_space<vmem>> -> memref<128xi32, #tpu.memory_space<vmem>>
        %get3A_144 = arith.constant 32 : index
        %get3A_145 = tpu.vector_load %get3A_143[%get3A_144] {strides = array<i32>} : memref<128xi32, #tpu.memory_space<vmem>>, vector<16xi32>,
        tpu.vector_store_idx %arg9[%get3A_145], %broadcast_in_dim3A_9 {add = true} : memref<512xf32, #tpu.memory_space<vmem>>[vector<16xi32>], vector<16xf32>,
        %get3A_146 = arith.constant 1 : i32
        %get3A_147 = arith.constant 0 : i32
        %get3A_148 = arith.constant 0 : i32
        %get3A_149 = tpu.memref_slice %arg7[%get3A_146, %get3A_147, %get3A_148] : memref<2x1x128xi32, #tpu.memory_space<vmem>> -> memref<1x1x128xi32, #tpu.memory_space<vmem>>
        %get3A_150 = tpu.memref_squeeze %get3A_149 : memref<1x1x128xi32, #tpu.memory_space<vmem>> -> memref<128xi32, #tpu.memory_space<vmem>>
        %get3A_151 = arith.constant 48 : index
        %get3A_152 = tpu.vector_load %get3A_150[%get3A_151] {strides = array<i32>} : memref<128xi32, #tpu.memory_space<vmem>>, vector<16xi32>,
        tpu.vector_store_idx %arg9[%get3A_152], %broadcast_in_dim3A_9 {add = true} : memref<512xf32, #tpu.memory_space<vmem>>[vector<16xi32>], vector<16xf32>,
        %get3A_153 = arith.constant 1 : i32
        %get3A_154 = arith.constant 0 : i32
        %get3A_155 = arith.constant 0 : i32
        %get3A_156 = tpu.memref_slice %arg7[%get3A_153, %get3A_154, %get3A_155] : memref<2x1x128xi32, #tpu.memory_space<vmem>> -> memref<1x1x128xi32, #tpu.memory_space<vmem>>
        %get3A_157 = tpu.memref_squeeze %get3A_156 : memref<1x1x128xi32, #tpu.memory_space<vmem>> -> memref<128xi32, #tpu.memory_space<vmem>>
        %get3A_158 = arith.constant 64 : index
        %get3A_159 = tpu.vector_load %get3A_157[%get3A_158] {strides = array<i32>} : memref<128xi32, #tpu.memory_space<vmem>>, vector<16xi32>,
        tpu.vector_store_idx %arg9[%get3A_159], %broadcast_in_dim3A_9 {add = true} : memref<512xf32, #tpu.memory_space<vmem>>[vector<16xi32>], vector<16xf32>,
        %get3A_160 = arith.constant 1 : i32
        %get3A_161 = arith.constant 0 : i32
        %get3A_162 = arith.constant 0 : i32
        %get3A_163 = tpu.memref_slice %arg7[%get3A_160, %get3A_161, %get3A_162] : memref<2x1x128xi32, #tpu.memory_space<vmem>> -> memref<1x1x128xi32, #tpu.memory_space<vmem>>
        %get3A_164 = tpu.memref_squeeze %get3A_163 : memref<1x1x128xi32, #tpu.memory_space<vmem>> -> memref<128xi32, #tpu.memory_space<vmem>>
        %get3A_165 = arith.constant 80 : index
        %get3A_166 = tpu.vector_load %get3A_164[%get3A_165] {strides = array<i32>} : memref<128xi32, #tpu.memory_space<vmem>>, vector<16xi32>,
        tpu.vector_store_idx %arg9[%get3A_166], %broadcast_in_dim3A_9 {add = true} : memref<512xf32, #tpu.memory_space<vmem>>[vector<16xi32>], vector<16xf32>,
        %get3A_167 = arith.constant 1 : i32
        %get3A_168 = arith.constant 0 : i32
        %get3A_169 = arith.constant 0 : i32
        %get3A_170 = tpu.memref_slice %arg7[%get3A_167, %get3A_168, %get3A_169] : memref<2x1x128xi32, #tpu.memory_space<vmem>> -> memref<1x1x128xi32, #tpu.memory_space<vmem>>
        %get3A_171 = tpu.memref_squeeze %get3A_170 : memref<1x1x128xi32, #tpu.memory_space<vmem>> -> memref<128xi32, #tpu.memory_space<vmem>>
        %get3A_172 = arith.constant 96 : index
        %get3A_173 = tpu.vector_load %get3A_171[%get3A_172] {strides = array<i32>} : memref<128xi32, #tpu.memory_space<vmem>>, vector<16xi32>,
        tpu.vector_store_idx %arg9[%get3A_173], %broadcast_in_dim3A_9 {add = true} : memref<512xf32, #tpu.memory_space<vmem>>[vector<16xi32>], vector<16xf32>,
        %get3A_174 = arith.constant 1 : i32
        %get3A_175 = arith.constant 0 : i32
        %get3A_176 = arith.constant 0 : i32
        %get3A_177 = tpu.memref_slice %arg7[%get3A_174, %get3A_175, %get3A_176] : memref<2x1x128xi32, #tpu.memory_space<vmem>> -> memref<1x1x128xi32, #tpu.memory_space<vmem>>
        %get3A_178 = tpu.memref_squeeze %get3A_177 : memref<1x1x128xi32, #tpu.memory_space<vmem>> -> memref<128xi32, #tpu.memory_space<vmem>>
        %get3A_179 = arith.constant 112 : index
        %get3A_180 = tpu.vector_load %get3A_178[%get3A_179] {strides = array<i32>} : memref<128xi32, #tpu.memory_space<vmem>>, vector<16xi32>,
        tpu.vector_store_idx %arg9[%get3A_180], %broadcast_in_dim3A_9 {add = true} : memref<512xf32, #tpu.memory_space<vmem>>[vector<16xi32>], vector<16xf32>,
      } else {
      }
      %scan3A_93 = arith.constant 0 : i32
      scf.yield %scan3A_93 : i32
    }
    %scan3A_46 = arith.constant 13 : i32
    %eq3A = arith.constant 31 : i32
    %eq3A_47 = arith.cmpi eq, %add3A, %eq3A : i32
    %convert_element_type3A = arith.extui %eq3A_47 : i1 to i32
    %cond3A = arith.constant 0 : i32
    %cond3A_48 = arith.cmpi ne, %convert_element_type3A, %cond3A : i32
    scf.if %cond3A_48 {
      %run_scoped3A = arith.constant 0 : i32
      "tpu.region"() ({
        %run_scoped3A_68 = tpu.sem_alloc : memref<!tpu.dma_semaphore, #tpu.memory_space<semaphore_mem>>
        %dma_start3A_69 = arith.constant 0 : i32
        %dma_start3A_70 = arith.constant 0 : i32
        %dma_start3A_71 = tpu.memref_slice %arg6[%run_scoped3A, %dma_start3A_69, %dma_start3A_70] : memref<2x128x128xf32, #tpu.memory_space<vmem>> -> memref<1x32x128xf32, #tpu.memory_space<vmem>>
        %dma_start3A_72 = tpu.memref_squeeze %dma_start3A_71 : memref<1x32x128xf32, #tpu.memory_space<vmem>> -> memref<32x128xf32, #tpu.memory_space<vmem>>
        %dma_start3A_73 = arith.constant 99968 : i32
        %dma_start3A_74 = arith.constant 0 : i32
        %dma_start3A_75 = tpu.memref_slice %arg2[%dma_start3A_73, %dma_start3A_74] : memref<100000x128xf32, #tpu.memory_space<hbm>> -> memref<32x128xf32, #tpu.memory_space<hbm>>
        %dma_start3A_76 = arith.constant 0 : i32
        %dma_start3A_77 = arith.constant 0 : i32
        %dma_start3A_78 = tpu.memref_slice %arg6[%run_scoped3A, %dma_start3A_76, %dma_start3A_77] : memref<2x128x128xf32, #tpu.memory_space<vmem>> -> memref<1x32x128xf32, #tpu.memory_space<vmem>>
        %dma_start3A_79 = tpu.memref_squeeze %dma_start3A_78 : memref<1x32x128xf32, #tpu.memory_space<vmem>> -> memref<32x128xf32, #tpu.memory_space<vmem>>
        %dma_start3A_80 = arith.constant 99968 : i32
        %dma_start3A_81 = arith.constant 0 : i32
        %dma_start3A_82 = tpu.memref_slice %arg2[%dma_start3A_80, %dma_start3A_81] : memref<100000x128xf32, #tpu.memory_space<hbm>> -> memref<32x128xf32, #tpu.memory_space<hbm>>
        tpu.enqueue_dma source(%dma_start3A_82 : memref<32x128xf32, #tpu.memory_space<hbm>>) target(%dma_start3A_79 : memref<32x128xf32, #tpu.memory_space<vmem>>) target_semaphore(%run_scoped3A_68 : memref<!tpu.dma_semaphore, #tpu.memory_space<semaphore_mem>>)
        %dma_wait3A = arith.constant 0 : i32
        %dma_wait3A_83 = arith.constant 0 : i32
        %dma_wait3A_84 = tpu.memref_slice %arg6[%run_scoped3A, %dma_wait3A, %dma_wait3A_83] : memref<2x128x128xf32, #tpu.memory_space<vmem>> -> memref<1x32x128xf32, #tpu.memory_space<vmem>>
        %dma_wait3A_85 = tpu.memref_squeeze %dma_wait3A_84 : memref<1x32x128xf32, #tpu.memory_space<vmem>> -> memref<32x128xf32, #tpu.memory_space<vmem>>
        %dma_wait3A_86 = arith.constant 99968 : i32
        %dma_wait3A_87 = arith.constant 0 : i32
        %dma_wait3A_88 = tpu.memref_slice %arg2[%dma_wait3A_86, %dma_wait3A_87] : memref<100000x128xf32, #tpu.memory_space<hbm>> -> memref<32x128xf32, #tpu.memory_space<hbm>>
        %dma_wait3A_89 = arith.constant 0 : i32
        %dma_wait3A_90 = arith.constant 0 : i32
        %dma_wait3A_91 = tpu.memref_slice %arg6[%run_scoped3A, %dma_wait3A_89, %dma_wait3A_90] : memref<2x128x128xf32, #tpu.memory_space<vmem>> -> memref<1x32x128xf32, #tpu.memory_space<vmem>>
        %dma_wait3A_92 = tpu.memref_squeeze %dma_wait3A_91 : memref<1x32x128xf32, #tpu.memory_space<vmem>> -> memref<32x128xf32, #tpu.memory_space<vmem>>
        %dma_wait3A_93 = arith.constant 99968 : i32
        %dma_wait3A_94 = arith.constant 0 : i32
        %dma_wait3A_95 = tpu.memref_slice %arg2[%dma_wait3A_93, %dma_wait3A_94] : memref<100000x128xf32, #tpu.memory_space<hbm>> -> memref<32x128xf32, #tpu.memory_space<hbm>>
        tpu.wait_dma2 semaphore(%run_scoped3A_68 : memref<!tpu.dma_semaphore, #tpu.memory_space<semaphore_mem>>) src(%dma_wait3A_95 : memref<32x128xf32, #tpu.memory_space<hbm>>) dst(%dma_wait3A_92 : memref<32x128xf32, #tpu.memory_space<vmem>>)
        tpu.yield
      }) : () -> ()
      %run_scoped3A_54 = arith.constant 0 : i32
      "tpu.region"() ({
        %run_scoped3A_68 = tpu.sem_alloc : memref<!tpu.dma_semaphore, #tpu.memory_space<semaphore_mem>>
        %dma_start3A_69 = arith.constant 0 : i32
        %dma_start3A_70 = tpu.memref_slice %arg8[%run_scoped3A_54, %dma_start3A_69] : memref<1x32xi32, #tpu.memory_space<vmem>> -> memref<1x32xi32, #tpu.memory_space<vmem>>
        %dma_start3A_71 = tpu.memref_squeeze %dma_start3A_70 : memref<1x32xi32, #tpu.memory_space<vmem>> -> memref<32xi32, #tpu.memory_space<vmem>>
        %dma_start3A_72 = arith.constant 99968 : i32
        %dma_start3A_73 = tpu.memref_slice %arg3[%dma_start3A_72] : memref<100000xi32, #tpu.memory_space<hbm>> -> memref<32xi32, #tpu.memory_space<hbm>>
        %dma_start3A_74 = arith.constant 0 : i32
        %dma_start3A_75 = tpu.memref_slice %arg8[%run_scoped3A_54, %dma_start3A_74] : memref<1x32xi32, #tpu.memory_space<vmem>> -> memref<1x32xi32, #tpu.memory_space<vmem>>
        %dma_start3A_76 = tpu.memref_squeeze %dma_start3A_75 : memref<1x32xi32, #tpu.memory_space<vmem>> -> memref<32xi32, #tpu.memory_space<vmem>>
        %dma_start3A_77 = arith.constant 99968 : i32
        %dma_start3A_78 = tpu.memref_slice %arg3[%dma_start3A_77] : memref<100000xi32, #tpu.memory_space<hbm>> -> memref<32xi32, #tpu.memory_space<hbm>>
        tpu.enqueue_dma source(%dma_start3A_78 : memref<32xi32, #tpu.memory_space<hbm>>) target(%dma_start3A_76 : memref<32xi32, #tpu.memory_space<vmem>>) target_semaphore(%run_scoped3A_68 : memref<!tpu.dma_semaphore, #tpu.memory_space<semaphore_mem>>)
        %dma_wait3A = arith.constant 0 : i32
        %dma_wait3A_79 = tpu.memref_slice %arg8[%run_scoped3A_54, %dma_wait3A] : memref<1x32xi32, #tpu.memory_space<vmem>> -> memref<1x32xi32, #tpu.memory_space<vmem>>
        %dma_wait3A_80 = tpu.memref_squeeze %dma_wait3A_79 : memref<1x32xi32, #tpu.memory_space<vmem>> -> memref<32xi32, #tpu.memory_space<vmem>>
        %dma_wait3A_81 = arith.constant 99968 : i32
        %dma_wait3A_82 = tpu.memref_slice %arg3[%dma_wait3A_81] : memref<100000xi32, #tpu.memory_space<hbm>> -> memref<32xi32, #tpu.memory_space<hbm>>
        %dma_wait3A_83 = arith.constant 0 : i32
        %dma_wait3A_84 = tpu.memref_slice %arg8[%run_scoped3A_54, %dma_wait3A_83] : memref<1x32xi32, #tpu.memory_space<vmem>> -> memref<1x32xi32, #tpu.memory_space<vmem>>
        %dma_wait3A_85 = tpu.memref_squeeze %dma_wait3A_84 : memref<1x32xi32, #tpu.memory_space<vmem>> -> memref<32xi32, #tpu.memory_space<vmem>>
        %dma_wait3A_86 = arith.constant 99968 : i32
        %dma_wait3A_87 = tpu.memref_slice %arg3[%dma_wait3A_86] : memref<100000xi32, #tpu.memory_space<hbm>> -> memref<32xi32, #tpu.memory_space<hbm>>
        tpu.wait_dma2 semaphore(%run_scoped3A_68 : memref<!tpu.dma_semaphore, #tpu.memory_space<semaphore_mem>>) src(%dma_wait3A_87 : memref<32xi32, #tpu.memory_space<hbm>>) dst(%dma_wait3A_85 : memref<32xi32, #tpu.memory_space<vmem>>)
        tpu.yield
      }) : () -> ()
      %run_scoped3A_55 = arith.constant 0 : i32
      %run_scoped3A_56 = arith.constant 0 : i32
      "tpu.region"() ({
        %run_scoped3A_68 = tpu.sem_alloc : memref<!tpu.dma_semaphore, #tpu.memory_space<semaphore_mem>>
        %dma_start3A_69 = arith.constant 0 : i32
        %dma_start3A_70 = arith.constant 0 : i32
        %dma_start3A_71 = tpu.memref_slice %arg6[%run_scoped3A_55, %dma_start3A_69, %dma_start3A_70] : memref<2x128x128xf32, #tpu.memory_space<vmem>> -> memref<1x32x128xf32, #tpu.memory_space<vmem>>
        %dma_start3A_72 = tpu.memref_squeeze %dma_start3A_71 : memref<1x32x128xf32, #tpu.memory_space<vmem>> -> memref<32x128xf32, #tpu.memory_space<vmem>>
        %dma_start3A_73 = arith.constant 0 : i32
        %dma_start3A_74 = tpu.memref_slice %arg8[%run_scoped3A_56, %dma_start3A_73] : memref<1x32xi32, #tpu.memory_space<vmem>> -> memref<1x32xi32, #tpu.memory_space<vmem>>
        %dma_start3A_75 = tpu.memref_squeeze %dma_start3A_74 : memref<1x32xi32, #tpu.memory_space<vmem>> -> memref<32xi32, #tpu.memory_space<vmem>>
        %dma_start3A_76 = arith.constant 0 : i32
        %dma_start3A_77 = arith.constant 0 : i32
        %dma_start3A_78 = tpu.memref_slice %arg11[%dma_start3A_76, %dma_start3A_77] : memref<512x128xf32, #tpu.memory_space<vmem_shared>> -> memref<512x128xf32, #tpu.memory_space<vmem_shared>>
        tpu.enqueue_indirect_dma source(%dma_start3A_72 : memref<32x128xf32, #tpu.memory_space<vmem>>) target(%dma_start3A_78 : memref<512x128xf32, #tpu.memory_space<vmem_shared>>) offsets(%dma_start3A_75 : memref<32xi32, #tpu.memory_space<vmem>>) semaphore(%run_scoped3A_68 : memref<!tpu.dma_semaphore, #tpu.memory_space<semaphore_mem>>) {add = true}
        %dma_wait3A = arith.constant 0 : i32
        %dma_wait3A_79 = arith.constant 0 : i32
        %dma_wait3A_80 = tpu.memref_slice %arg6[%run_scoped3A_55, %dma_wait3A, %dma_wait3A_79] : memref<2x128x128xf32, #tpu.memory_space<vmem>> -> memref<1x32x128xf32, #tpu.memory_space<vmem>>
        %dma_wait3A_81 = tpu.memref_squeeze %dma_wait3A_80 : memref<1x32x128xf32, #tpu.memory_space<vmem>> -> memref<32x128xf32, #tpu.memory_space<vmem>>
        %dma_wait3A_82 = arith.constant 0 : i32
        %dma_wait3A_83 = tpu.memref_slice %arg8[%run_scoped3A_56, %dma_wait3A_82] : memref<1x32xi32, #tpu.memory_space<vmem>> -> memref<1x32xi32, #tpu.memory_space<vmem>>
        %dma_wait3A_84 = tpu.memref_squeeze %dma_wait3A_83 : memref<1x32xi32, #tpu.memory_space<vmem>> -> memref<32xi32, #tpu.memory_space<vmem>>
        %dma_wait3A_85 = arith.constant 0 : i32
        %dma_wait3A_86 = arith.constant 0 : i32
        %dma_wait3A_87 = tpu.memref_slice %arg11[%dma_wait3A_85, %dma_wait3A_86] : memref<512x128xf32, #tpu.memory_space<vmem_shared>> -> memref<512x128xf32, #tpu.memory_space<vmem_shared>>
        tpu.wait_indirect_dma semaphore(%run_scoped3A_68 : memref<!tpu.dma_semaphore, #tpu.memory_space<semaphore_mem>>) src(%dma_wait3A_81 : memref<32x128xf32, #tpu.memory_space<vmem>>) dst(%dma_wait3A_87 : memref<512x128xf32, #tpu.memory_space<vmem_shared>>)
        tpu.yield
      }) : () -> ()
      %get3A = arith.constant 0 : i32
      %get3A_57 = arith.constant 0 : i32
      %get3A_58 = tpu.memref_slice %arg8[%get3A, %get3A_57] : memref<1x32xi32, #tpu.memory_space<vmem>> -> memref<1x32xi32, #tpu.memory_space<vmem>>
      %get3A_59 = tpu.memref_squeeze %get3A_58 : memref<1x32xi32, #tpu.memory_space<vmem>> -> memref<32xi32, #tpu.memory_space<vmem>>
      %get3A_60 = arith.constant 0 : index
      %get3A_61 = tpu.vector_load %get3A_59[%get3A_60] {strides = array<i32>} : memref<32xi32, #tpu.memory_space<vmem>>, vector<16xi32>,
      tpu.vector_store_idx %arg9[%get3A_61], %broadcast_in_dim3A_9 {add = true} : memref<512xf32, #tpu.memory_space<vmem>>[vector<16xi32>], vector<16xf32>,
      %get3A_62 = arith.constant 0 : i32
      %get3A_63 = arith.constant 0 : i32
      %get3A_64 = tpu.memref_slice %arg8[%get3A_62, %get3A_63] : memref<1x32xi32, #tpu.memory_space<vmem>> -> memref<1x32xi32, #tpu.memory_space<vmem>>
      %get3A_65 = tpu.memref_squeeze %get3A_64 : memref<1x32xi32, #tpu.memory_space<vmem>> -> memref<32xi32, #tpu.memory_space<vmem>>
      %get3A_66 = arith.constant 16 : index
      %get3A_67 = tpu.vector_load %get3A_65[%get3A_66] {strides = array<i32>} : memref<32xi32, #tpu.memory_space<vmem>>, vector<16xi32>,
      tpu.vector_store_idx %arg9[%get3A_67], %broadcast_in_dim3A_9 {add = true} : memref<512xf32, #tpu.memory_space<vmem>>[vector<16xi32>], vector<16xf32>,
    } else {
    }
    %barrier3A_49 = arith.constant 0 : index
    tpu.barrier barrier_id(%barrier3A_49)
    %mul3A_50 = arith.constant 32 : i32
    %mul3A_51 = arith.muli %arg1, %mul3A_50 : i32
    %mul3A_52 = arith.constant 32 : i32
    %mul3A_53 = arith.muli %arg1, %mul3A_52 : i32
    "tpu.region"() ({
      %run_scoped3A = tpu.sem_alloc : memref<!tpu.dma_semaphore, #tpu.memory_space<semaphore_mem>>
      %dma_start3A_54 = arith.constant 0 : i32
      %dma_start3A_55 = tpu.memref_slice %arg4[%arg0, %mul3A_53, %dma_start3A_54] : memref<2x512x128xf32, #tpu.memory_space<hbm>> -> memref<1x32x128xf32, #tpu.memory_space<hbm>>
      %dma_start3A_56 = tpu.memref_squeeze %dma_start3A_55 : memref<1x32x128xf32, #tpu.memory_space<hbm>> -> memref<32x128xf32, #tpu.memory_space<hbm>>
      %dma_start3A_57 = arith.constant 0 : i32
      %dma_start3A_58 = tpu.memref_slice %arg11[%mul3A_51, %dma_start3A_57] : memref<512x128xf32, #tpu.memory_space<vmem_shared>> -> memref<32x128xf32, #tpu.memory_space<vmem_shared>>
      tpu.enqueue_dma source(%dma_start3A_58 : memref<32x128xf32, #tpu.memory_space<vmem_shared>>) target(%dma_start3A_56 : memref<32x128xf32, #tpu.memory_space<hbm>>) target_semaphore(%run_scoped3A : memref<!tpu.dma_semaphore, #tpu.memory_space<semaphore_mem>>)
      %dma_wait3A = arith.constant 0 : i32
      %dma_wait3A_59 = tpu.memref_slice %arg4[%arg0, %mul3A_53, %dma_wait3A] : memref<2x512x128xf32, #tpu.memory_space<hbm>> -> memref<1x32x128xf32, #tpu.memory_space<hbm>>
      %dma_wait3A_60 = tpu.memref_squeeze %dma_wait3A_59 : memref<1x32x128xf32, #tpu.memory_space<hbm>> -> memref<32x128xf32, #tpu.memory_space<hbm>>
      %dma_wait3A_61 = arith.constant 0 : i32
      %dma_wait3A_62 = tpu.memref_slice %arg11[%mul3A_51, %dma_wait3A_61] : memref<512x128xf32, #tpu.memory_space<vmem_shared>> -> memref<32x128xf32, #tpu.memory_space<vmem_shared>>
      tpu.wait_dma2 semaphore(%run_scoped3A : memref<!tpu.dma_semaphore, #tpu.memory_space<semaphore_mem>>) src(%dma_wait3A_62 : memref<32x128xf32, #tpu.memory_space<vmem_shared>>) dst(%dma_wait3A_60 : memref<32x128xf32, #tpu.memory_space<hbm>>)
      tpu.yield
    }) : () -> ()
    "tpu.region"() ({
      %run_scoped3A = tpu.sem_alloc : memref<!tpu.dma_semaphore, #tpu.memory_space<semaphore_mem>>
      %dma_start3A_54 = arith.constant 0 : i32
      %dma_start3A_55 = tpu.memref_slice %arg5[%add3A, %dma_start3A_54] : memref<32x512xf32, #tpu.memory_space<hbm>> -> memref<1x512xf32, #tpu.memory_space<hbm>>
      %dma_start3A_56 = tpu.memref_squeeze %dma_start3A_55 : memref<1x512xf32, #tpu.memory_space<hbm>> -> memref<512xf32, #tpu.memory_space<hbm>>
      %dma_start3A_57 = arith.constant 0 : i32
      %dma_start3A_58 = tpu.memref_slice %arg5[%add3A, %dma_start3A_57] : memref<32x512xf32, #tpu.memory_space<hbm>> -> memref<1x512xf32, #tpu.memory_space<hbm>>
      %dma_start3A_59 = tpu.memref_squeeze %dma_start3A_58 : memref<1x512xf32, #tpu.memory_space<hbm>> -> memref<512xf32, #tpu.memory_space<hbm>>
      tpu.enqueue_dma source(%arg9 : memref<512xf32, #tpu.memory_space<vmem>>) target(%dma_start3A_59 : memref<512xf32, #tpu.memory_space<hbm>>) target_semaphore(%run_scoped3A : memref<!tpu.dma_semaphore, #tpu.memory_space<semaphore_mem>>)
      %dma_wait3A = arith.constant 0 : i32
      %dma_wait3A_60 = tpu.memref_slice %arg5[%add3A, %dma_wait3A] : memref<32x512xf32, #tpu.memory_space<hbm>> -> memref<1x512xf32, #tpu.memory_space<hbm>>
      %dma_wait3A_61 = tpu.memref_squeeze %dma_wait3A_60 : memref<1x512xf32, #tpu.memory_space<hbm>> -> memref<512xf32, #tpu.memory_space<hbm>>
      %dma_wait3A_62 = arith.constant 0 : i32
      %dma_wait3A_63 = tpu.memref_slice %arg5[%add3A, %dma_wait3A_62] : memref<32x512xf32, #tpu.memory_space<hbm>> -> memref<1x512xf32, #tpu.memory_space<hbm>>
      %dma_wait3A_64 = tpu.memref_squeeze %dma_wait3A_63 : memref<1x512xf32, #tpu.memory_space<hbm>> -> memref<512xf32, #tpu.memory_space<hbm>>
      tpu.wait_dma2 semaphore(%run_scoped3A : memref<!tpu.dma_semaphore, #tpu.memory_space<semaphore_mem>>) src(%arg9 : memref<512xf32, #tpu.memory_space<vmem>>) dst(%dma_wait3A_64 : memref<512xf32, #tpu.memory_space<hbm>>)
      tpu.yield
    }) : () -> ()
    return
  }
}

module attributes {stable_mosaic.version = 14 : i64} {
  func.func @_mlp_body(%arg0: memref<2x512x128xf32, #tpu.memory_space<vmem>>, %arg1: memref<32x512xf32, #tpu.memory_space<vmem>>, %arg2: memref<512x64xf32, #tpu.memory_space<vmem>>, %arg3: memref<192x128xf32, #tpu.memory_space<vmem>>, %arg4: memref<1x128xf32, #tpu.memory_space<vmem>>, %arg5: memref<1x128xf32, #tpu.memory_space<vmem>>, %arg6: memref<1x128xf32, #tpu.memory_space<vmem>>, %arg7: memref<128x128xf32, #tpu.memory_space<vmem>>, %arg8: memref<1x128xf32, #tpu.memory_space<vmem>>, %arg9: memref<512x128xf32, #tpu.memory_space<vmem>>) attributes {dimension_semantics = [], scalar_prefetch = 0 : i64, scratch_operands = 0 : i64, tpu.core_type = #tpu.core_type<tc>} {
    %get3A = arith.constant 0 : index
    %get3A_0 = arith.constant 0 : index
    %get3A_1 = arith.constant 0 : index
    %get3A_2 = vector.load %arg0[%get3A, %get3A_0, %get3A_1] : memref<2x512x128xf32, #tpu.memory_space<vmem>>, vector<1x512x128xf32>
    %get3A_3 = vector.shape_cast %get3A_2 : vector<1x512x128xf32> to vector<512x128xf32>
    %get3A_4 = arith.constant 1 : index
    %get3A_5 = arith.constant 0 : index
    %get3A_6 = arith.constant 0 : index
    %get3A_7 = vector.load %arg0[%get3A_4, %get3A_5, %get3A_6] : memref<2x512x128xf32, #tpu.memory_space<vmem>>, vector<1x512x128xf32>
    %get3A_8 = vector.shape_cast %get3A_7 : vector<1x512x128xf32> to vector<512x128xf32>
    %add3A = arith.addf %get3A_3, %get3A_8 : vector<512x128xf32>
    %get3A_9 = arith.constant 0 : index
    %get3A_10 = arith.constant 0 : index
    %get3A_11 = vector.load %arg1[%get3A_9, %get3A_10] : memref<32x512xf32, #tpu.memory_space<vmem>>, vector<32x512xf32>
    %broadcast_in_dim3A = arith.constant 1.000000e+00 : f32
    %broadcast_in_dim3A_12 = vector.broadcast %broadcast_in_dim3A : f32 to vector<32x1xf32>
    %dot_general3A = arith.constant dense<0.000000e+00> : vector<512x1xf32>
    %dot_general3A_13 = tpu.matmul %get3A_11, %broadcast_in_dim3A_12, %dot_general3A {dimension_numbers = #tpu.dot_dimension_numbers<[0], [0], [1], [1], [0, 1, 1, 1], [], []>, transpose_lhs_hint = false} : vector<32x512xf32>, vector<32x1xf32>, vector<512x1xf32> -> vector<512x1xf32>
    %max3A = arith.constant 1.000000e+00 : f32
    %max3A_14 = vector.broadcast %max3A : f32 to vector<512x1xf32>
    %max3A_15 = arith.maximumf %dot_general3A_13, %max3A_14 : vector<512x1xf32>
    %div3A = vector.broadcast %max3A_15 : vector<512x1xf32> to vector<512x128xf32>
    %div3A_16 = arith.divf %add3A, %div3A : vector<512x128xf32>
    %get3A_17 = arith.constant 0 : index
    %get3A_18 = arith.constant 0 : index
    %get3A_19 = vector.load %arg2[%get3A_17, %get3A_18] : memref<512x64xf32, #tpu.memory_space<vmem>>, vector<512x64xf32>
    %get3A_20 = arith.constant 0 : index
    %get3A_21 = arith.constant 0 : index
    %get3A_22 = vector.load %arg3[%get3A_20, %get3A_21] : memref<192x128xf32, #tpu.memory_space<vmem>>, vector<64x128xf32>
    %dot_general3A_23 = arith.constant dense<0.000000e+00> : vector<512x128xf32>
    %dot_general3A_24 = tpu.matmul %get3A_19, %get3A_22, %dot_general3A_23 {dimension_numbers = #tpu.dot_dimension_numbers<[1], [0], [0], [1], [0, 0, 1, 1], [], []>, transpose_lhs_hint = false} : vector<512x64xf32>, vector<64x128xf32>, vector<512x128xf32> -> vector<512x128xf32>
    %get3A_25 = arith.constant 64 : index
    %get3A_26 = arith.constant 0 : index
    %get3A_27 = vector.load %arg3[%get3A_25, %get3A_26] : memref<192x128xf32, #tpu.memory_space<vmem>>, vector<128x128xf32>
    %dot_general3A_28 = arith.constant dense<0.000000e+00> : vector<512x128xf32>
    %dot_general3A_29 = tpu.matmul %div3A_16, %get3A_27, %dot_general3A_28 {dimension_numbers = #tpu.dot_dimension_numbers<[1], [0], [0], [1], [0, 0, 1, 1], [], []>, transpose_lhs_hint = false} : vector<512x128xf32>, vector<128x128xf32>, vector<512x128xf32> -> vector<512x128xf32>
    %add3A_30 = arith.addf %dot_general3A_24, %dot_general3A_29 : vector<512x128xf32>
    %get3A_31 = arith.constant 0 : index
    %get3A_32 = arith.constant 0 : index
    %get3A_33 = vector.load %arg4[%get3A_31, %get3A_32] : memref<1x128xf32, #tpu.memory_space<vmem>>, vector<1x128xf32>
    %add3A_34 = vector.broadcast %get3A_33 : vector<1x128xf32> to vector<512x128xf32>
    %add3A_35 = arith.addf %add3A_30, %add3A_34 : vector<512x128xf32>
    %ge3A = arith.constant 0.000000e+00 : f32
    %ge3A_36 = vector.broadcast %ge3A : f32 to vector<512x128xf32>
    %ge3A_37 = arith.cmpf oge, %add3A_35, %ge3A_36 : vector<512x128xf32>
    %mul3A = arith.constant 0.00999999977 : f32
    %mul3A_38 = vector.broadcast %mul3A : f32 to vector<512x128xf32>
    %mul3A_39 = arith.mulf %mul3A_38, %add3A_35 : vector<512x128xf32>
    %select_n3A = arith.select %ge3A_37, %add3A_35, %mul3A_39 : vector<512x128xi1>, vector<512x128xf32>
    %reduce_sum3A = arith.constant dense<0.000000e+00> : vector<512xf32>
    %reduce_sum3A_40 = vector.multi_reduction <add>, %select_n3A, %reduce_sum3A [1] : vector<512x128xf32> to vector<512xf32>
    %broadcast_in_dim3A_41 = vector.shape_cast %reduce_sum3A_40 : vector<512xf32> to vector<512x1xf32>
    %div3A_42 = arith.constant 1.280000e+02 : f32
    %div3A_43 = vector.broadcast %div3A_42 : f32 to vector<512x1xf32>
    %div3A_44 = arith.divf %broadcast_in_dim3A_41, %div3A_43 : vector<512x1xf32>
    %sub3A = vector.broadcast %div3A_44 : vector<512x1xf32> to vector<512x128xf32>
    %sub3A_45 = arith.subf %select_n3A, %sub3A : vector<512x128xf32>
    %integer_pow3A = arith.mulf %sub3A_45, %sub3A_45 : vector<512x128xf32>
    %reduce_sum3A_46 = arith.constant dense<0.000000e+00> : vector<512xf32>
    %reduce_sum3A_47 = vector.multi_reduction <add>, %integer_pow3A, %reduce_sum3A_46 [1] : vector<512x128xf32> to vector<512xf32>
    %broadcast_in_dim3A_48 = vector.shape_cast %reduce_sum3A_47 : vector<512xf32> to vector<512x1xf32>
    %div3A_49 = arith.constant 1.280000e+02 : f32
    %div3A_50 = vector.broadcast %div3A_49 : f32 to vector<512x1xf32>
    %div3A_51 = arith.divf %broadcast_in_dim3A_48, %div3A_50 : vector<512x1xf32>
    %sub3A_52 = vector.broadcast %div3A_44 : vector<512x1xf32> to vector<512x128xf32>
    %sub3A_53 = arith.subf %select_n3A, %sub3A_52 : vector<512x128xf32>
    %add3A_54 = arith.constant 9.99999974E-6 : f32
    %add3A_55 = vector.broadcast %add3A_54 : f32 to vector<512x1xf32>
    %add3A_56 = arith.addf %div3A_51, %add3A_55 : vector<512x1xf32>
    %rsqrt3A = math.rsqrt %add3A_56 : vector<512x1xf32>
    %mul3A_57 = vector.broadcast %rsqrt3A : vector<512x1xf32> to vector<512x128xf32>
    %mul3A_58 = arith.mulf %sub3A_53, %mul3A_57 : vector<512x128xf32>
    %get3A_59 = arith.constant 0 : index
    %get3A_60 = arith.constant 0 : index
    %get3A_61 = vector.load %arg5[%get3A_59, %get3A_60] : memref<1x128xf32, #tpu.memory_space<vmem>>, vector<1x128xf32>
    %mul3A_62 = vector.broadcast %get3A_61 : vector<1x128xf32> to vector<512x128xf32>
    %mul3A_63 = arith.mulf %mul3A_58, %mul3A_62 : vector<512x128xf32>
    %get3A_64 = arith.constant 0 : index
    %get3A_65 = arith.constant 0 : index
    %get3A_66 = vector.load %arg6[%get3A_64, %get3A_65] : memref<1x128xf32, #tpu.memory_space<vmem>>, vector<1x128xf32>
    %add3A_67 = vector.broadcast %get3A_66 : vector<1x128xf32> to vector<512x128xf32>
    %add3A_68 = arith.addf %mul3A_63, %add3A_67 : vector<512x128xf32>
    %get3A_69 = arith.constant 0 : index
    %get3A_70 = arith.constant 0 : index
    %get3A_71 = vector.load %arg7[%get3A_69, %get3A_70] : memref<128x128xf32, #tpu.memory_space<vmem>>, vector<128x128xf32>
    %dot_general3A_72 = arith.constant dense<0.000000e+00> : vector<512x128xf32>
    %dot_general3A_73 = tpu.matmul %add3A_68, %get3A_71, %dot_general3A_72 {dimension_numbers = #tpu.dot_dimension_numbers<[1], [0], [0], [1], [0, 0, 1, 1], [], []>, transpose_lhs_hint = false} : vector<512x128xf32>, vector<128x128xf32>, vector<512x128xf32> -> vector<512x128xf32>
    %get3A_74 = arith.constant 0 : index
    %get3A_75 = arith.constant 0 : index
    %get3A_76 = vector.load %arg8[%get3A_74, %get3A_75] : memref<1x128xf32, #tpu.memory_space<vmem>>, vector<1x128xf32>
    %add3A_77 = vector.broadcast %get3A_76 : vector<1x128xf32> to vector<512x128xf32>
    %add3A_78 = arith.addf %dot_general3A_73, %add3A_77 : vector<512x128xf32>
    %swap3A = arith.constant 0 : index
    %swap3A_79 = arith.constant 0 : index
    %swap3A_80 = vector.load %arg9[%swap3A, %swap3A_79] : memref<512x128xf32, #tpu.memory_space<vmem>>, vector<512x128xf32>
    tpu.vector_store %arg9[%swap3A, %swap3A_79], %add3A_78 {strides = array<i32>} : memref<512x128xf32, #tpu.memory_space<vmem>>, vector<512x128xf32>,
    return
  }
}

</mosaic_0001>

<sc_bundles>
// kernel: kernel.4.cloned.1.call-start
scs
__scs_entry_jumppad:
0x0: {  	(pc) =	sbr.rel $0x88, $3  }
0x1: {  	(tag) =	ssettag $0x0;
	lr =	simm.s32 $0x1  }
0x2: {  	[smem:$0x3F98] =	sst lr;
	_ =	strace $0xD0000000  }
0x3: {  	_ = 	snop  }
0x4: {  	_ = 	snop  }
0x5: {  	_ = 	snop  }
0x6: {  	_ = 	snop  }
0x7: {  	_ = 	snop  }
__scs_overlays_trampoline_lowered:
0x8: {  	[smem:$0x3FA7] =	sst s0  }
0x9: {  	[smem:$0x3FA8] =	sst s1  }
0xa: {  	[smem:$0x3FA9] =	sst s2  }
0xb: {  	[smem:$0x3FAA] =	sst s3  }
0xc: {  	[smem:$0x3FAB] =	sst s4  }
0xd: {  	[smem:$0x3FAC] =	sst s5  }
0xe: {  	[smem:$0x3FAD] =	sst s6  }
0xf: {  	[smem:$0x3FAE] =	sst s7  }
0x10: {  	[smem:$0x3FAF] =	sst s8  }
0x11: {  	[smem:$0x3FB0] =	sst s9;
	s0 =	simm.s32 @!p0 $0x0  }
0x12: {  	s1 =	sld [smem:$0x3F96];
	s0 =	simm.s32 @p0 $0x1  }
0x13: {  	[smem:$0x3FB1] =	sst s0;
	s0 =	simm.s32 @!p1 $0x0  }
0x14: {  	s2 =	sld [smem:$0x3F95];
	s0 =	simm.s32 @p1 $0x1  }
0x15: {  	[smem:$0x3FB2] =	sst s0;
	s0 =	simm.s32 @!p2 $0x0  }
0x16: {  	s3 =	sld [smem:$0x3FDB];
	s0 =	simm.s32 @p2 $0x1  }
0x17: {  	s4 =	simm.s32 $0x1BF5;
	[smem:$0x3FB4] =	sst s0  }
0x18: {  	s0 =	sld [smem:$0x3F97];
	_ =	swait.ge [sflag:s4], $0x0  }
0x19: {  	s7 =	sld [smem:$0x3F98]  }
0x1a: {  	s8 =	sadd.s32 $0xFFFFE003, lr  }
0x1b: {  	s9 =	sadd.s32 $0xFFFFFEF7, lr;
	s5 =	simm.s32 $0xFFFFFFFF;
	p2 =	slt.u32 s8, $0xFFFFF086  }
0x1c: {  	p1 =	slt.u32 s9, $0xF7A;
	s5 =	simm.s32 @!p2 $0x0  }
0x1d: {  	s5 =	simm.s32 @p1 $0x1;
	p0 =	seq.s32 s7, s2  }
0x1e: {  	s7 =	smul.u32 @!p0 $0xF7A, s2;
	p2 =	seq.s32 @!p0 s5, $0x0  }
0x1f: {  	s9 =	smul.u32 $0xF7A, s1;
	s8 =	simm.s32 @!p0 $0x1BF5;
	p2 =	por !p2, p0  }
0x20: {  	[sflag:s8] =	ssyncset.s32 @!p0 $0xFFFFF086;
	s6 =	sadd.s32 @!p0 s3, s7;
	s7 =	simm.s32 @!p0 $0x108  }
0x21: {  	s3 =	sadd.s32 s3, s9;
	s6 =	sadd.s32 @!p0 $0x88, s6;
	s7 =	simm.s32 @p2 $0x1082  }
0x22: {  	[simem:s7], [sflag:s8] =	dma.local @!p0 [hbm:s6], $0xF7A  }
0x23: {  	s9 =	sor.u32 $0xD0000000, s2;
	s6 =	simm.s32 $0x108;
	_ =	swait.ge @!p0 [sflag:s8], $0x0  }
0x24: {  	s3 =	sadd.s32 $0x88, s3;
	s6 =	simm.s32 @!p1 $0x1082;
	[sflag:s4] =	ssyncset.s32 $0xFFFFF086  }
0x25: {  	[simem:s6], [sflag:s4] =	dma.local [hbm:s3], $0xF7A  }
0x26: {  	[smem:$0x3F98] =	sst s1;
	(tag) =	ssettag s2;
	_ =	strace s9  }
0x27: {  	s1 =	sld [smem:$0x3FA8]  }
0x28: {  	s2 =	sld [smem:$0x3FA9]  }
0x29: {  	s4 =	sld [smem:$0x3FAB]  }
0x2a: {  	p0 =	seq.s32 s5, $0x0;
	s5 =	sld [smem:$0x3FAC]  }
0x2b: {  	s6 =	sld [smem:$0x3FAD]  }
0x2c: {  	s7 =	sld [smem:$0x3FAE]  }
0x2d: {  	s3 =	simm.s32 $0x108;
	s8 =	sld [smem:$0x3FAF]  }
0x2e: {  	s3 =	simm.s32 @!p0 $0x1082;
	s9 =	sld [smem:$0x3FB0]  }
0x2f: {  	lr =	sadd.s32 s0, s3;
	s0 =	sld [smem:$0x3FA7]  }
0x30: {  	s3 =	sld [smem:$0x3FAA]  }
0x31: {  	[smem:$0x3FB3] =	sst s10  }
0x32: {  	s10 =	sld [smem:$0x3FB1];
	_ =	sdelay $0x3  }
0x33: {  	p0 =	seq.s32 s10, $0x1;
	s10 =	sld [smem:$0x3FB3];
	_ =	sdelay $0x3  }
0x34: {  	[smem:$0x3FB3] =	sst s10  }
0x35: {  	s10 =	sld [smem:$0x3FB2];
	_ =	sdelay $0x3  }
0x36: {  	p1 =	seq.s32 s10, $0x1;
	s10 =	sld [smem:$0x3FB3];
	_ =	sdelay $0x3  }
0x37: {  	[smem:$0x3FB3] =	sst s10  }
0x38: {  	s10 =	sld [smem:$0x3FB4]  }
0x39: {  	_ = 	snop;
	(pc) =	sbr.ind lr, $3  }
0x3a: {  	_ = 	snop  }
0x3b: {  	_ = 	snop  }
0x3c: {  	p2 =	seq.s32 s10, $0x1;
	s10 =	sld [smem:$0x3FB3]  }
0x3d: {  	_ =	shalt  }
0x3e: {  	_ =	shalt  }
0x3f: {  	_ =	shalt  }
0x40: {  	_ =	shalt  }
0x41: {  	_ =	shalt  }
0x42: {  	_ =	shalt  }
0x43: {  	_ =	shalt  }
0x44: {  	_ =	shalt  }
0x45: {  	_ =	shalt  }
0x46: {  	_ =	shalt  }
0x47: {  	_ =	shalt  }
0x48: {  	_ =	shalt  }
0x49: {  	_ =	shalt  }
0x4a: {  	_ =	shalt  }
0x4b: {  	_ =	shalt  }
0x4c: {  	_ =	shalt  }
0x4d: {  	_ =	shalt  }
0x4e: {  	_ =	shalt  }
0x4f: {  	_ =	shalt  }
0x50: {  	_ =	shalt  }
0x51: {  	_ =	shalt  }
0x52: {  	_ =	shalt  }
0x53: {  	_ =	shalt  }
0x54: {  	_ =	shalt  }
0x55: {  	_ =	shalt  }
0x56: {  	_ =	shalt  }
0x57: {  	_ =	shalt  }
0x58: {  	_ =	shalt  }
0x59: {  	_ =	shalt  }
0x5a: {  	_ =	shalt  }
0x5b: {  	_ =	shalt  }
0x5c: {  	_ =	shalt  }
0x5d: {  	_ =	shalt  }
0x5e: {  	_ =	shalt  }
0x5f: {  	_ =	shalt  }
0x60: {  	_ =	shalt  }
0x61: {  	_ =	shalt  }
0x62: {  	_ =	shalt  }
0x63: {  	_ =	shalt  }
0x64: {  	_ =	shalt  }
0x65: {  	_ =	shalt  }
0x66: {  	_ =	shalt  }
0x67: {  	_ =	shalt  }
0x68: {  	_ =	shalt  }
0x69: {  	_ =	shalt  }
0x6a: {  	_ =	shalt  }
0x6b: {  	_ =	shalt  }
0x6c: {  	_ =	shalt  }
0x6d: {  	_ =	shalt  }
0x6e: {  	_ =	shalt  }
0x6f: {  	_ =	shalt  }
0x70: {  	_ =	shalt  }
0x71: {  	_ =	shalt  }
0x72: {  	_ =	shalt  }
0x73: {  	_ =	shalt  }
0x74: {  	_ =	shalt  }
0x75: {  	_ =	shalt  }
0x76: {  	_ =	shalt  }
0x77: {  	_ =	shalt  }
0x78: {  	_ =	shalt  }
0x79: {  	_ =	shalt  }
0x7a: {  	_ =	shalt  }
0x7b: {  	_ =	shalt  }
0x7c: {  	_ =	shalt  }
0x7d: {  	_ =	shalt  }
0x7e: {  	_ =	shalt  }
0x7f: {  	_ =	shalt  }
0x80: {  	_ =	shalt  }
0x81: {  	_ =	shalt  }
0x82: {  	_ =	shalt  }
0x83: {  	_ =	shalt  }
0x84: {  	_ =	shalt  }
0x85: {  	_ =	shalt  }
0x86: {  	_ =	shalt  }
0x87: {  	_ =	shalt  }
.Lfunc_end0:
.L_simem_size_0:
called_computation_lowered:
.L_overlay_start_0:
0x88: {  	s2 =	sld [smem:$0x3FD9]  }
0x89: {  	s3 =	sld [smem:$0x3FFE];
	_ =	sdelay $0x1  }
0x8a: {  	s1 =	srdreg.scid  }
0x8b: {  	s0 =	sand.u32 $0x1, s1  }
0x8c: {  	s17 =	sshll.u32 s0, $0xA;
	s2 =	sadd.s32 s3, s2  }
0x8d: {  	s2 =	sadd.s32 s2, s17  }
0x8e: {  	[smem:$0x3FBF] =	sst s2  }
0x8f: {  	_ = 	snop  }
0x90: {  	s2 =	sld [smem:$0x3FC9]  }
0x91: {  	s18 =	sld [smem:$0x3FC7]  }
0x92: {  	s4 =	sld [smem:$0x3FD0];
	(tm) =	ssettm $0x1  }
0x93: {  	s5 =	sld [smem:$0x3FFB];
	_ =	sdelay $0x3  }
0x94: {  	_ =	strace s5  }
0x95: {  	s5 =	sld [smem:$0x3FFC];
	_ =	sdelay $0x3  }
0x96: {  	_ =	strace s5  }
0x97: {  	s5 =	sld [smem:$0x3FFD];
	_ =	sdelay $0x3  }
0x98: {  	_ =	strace s5  }
0x99: {  	_ =	strace $0x8FFFFFFF  }
0x9a: {  	s19 =	sld [smem:$0x3FDB];
	_ =	sdelay $0x1  }
0x9b: {  	s6 =	simm.s32 $_scs_section_size  }
0x9c: {  	s7 =	simm.s32 $_size__tile_overlayer_lowered;
	s8 =	simm.s32 $_tile_overlayer_lowered  }
0x9d: {  	s22 =	simm.s32 $0x1BFF;
	s21 =	sshll.u32 s8, $0x1;
	s5 =	sadd.s32 s6, s19  }
0x9e: {  	s9 =	simm.s32 $0x0;
	s20 =	sshll.u32 s7, $0x1;
	s7 =	sadd.s32 s21, s5  }
0x9f: {  	[timem:s9], [sflag:s22] =	dma.local [hbm:s7], s20  }
0xa0: {  	_ =	swait.ge [sflag:s22], s20  }
0xa1: {  	s6 =	ssub.s32 $0x0, s20;
	[sflag:s22] =	ssyncset.done $0x0  }
0xa2: {  	[sflag:s22] =	ssyncadd.s32 s6;
	_ =	sdelay $0x1  }
0xa3: {  	s23 =	simm.s32 $0x1B8B  }
0xa4: {  	_ =	swait.ge [sflag:s23], $0x1  }
0xa5: {  	[sflag:s23] =	ssyncset.done $0x0  }
0xa6: {  	s25 =	simm.s32 $0x1B8E;
	s24 =	sld [smem:$0x3FFE];
	[sflag:s23] =	ssyncadd.s32 $0xFFFFFFFF  }
0xa7: {  	s26 =	simm.s32 $execute0_lowered;
	[smem:$0x3FD2] =	sst s25  }
0xa8: {  	s7 =	sshll.u32 s26, $0x1;
	_ =	strace $0x80000046;
	[dreg:$0x1] =	wrdreg $0xFFFFFFFF  }
0xa9: {  	s28 =	simm.s32 $_size_execute0_lowered;
	s5 =	sadd.s32 s5, s7;
	[dreg:$0x0] =	wrdreg $0x0  }
0xaa: {  	s7 =	sshll.u32 s28, $0x1;
	[dreg:$0x2] =	wrdreg s5  }
0xab: {  	[dreg:$0x3] =	wrdreg s7  }
0xac: {  	[dreg:$0x4] =	wrdreg $0xC0  }
0xad: {  	_ =	task [dreg:s9], $0x5FFFF  }
0xae: {  	[dreg:$0x1] =	wrdreg $0xFFFFFFFF  }
0xaf: {  	[dreg:$0x0] =	wrdreg $0x60  }
0xb0: {  	[dreg:$0x2] =	wrdreg s2  }
0xb1: {  	[dreg:$0x3] =	wrdreg s18  }
0xb2: {  	[dreg:$0x4] =	wrdreg s24  }
0xb3: {  	[dreg:$0x5] =	wrdreg s4  }
0xb4: {  	[dreg:$0x6] =	wrdreg $0x93800  }
0xb5: {  	[dreg:$0x7] =	wrdreg $0x9  }
0xb6: {  	_ =	task.clear_ibuf [dreg:s9], $0x8FFFF;
	_ =	strace $0x90000046  }
0xb7: {  	s29 =	simm.s32 $0x9;
	_ =	strace $0x80000048  }
0xb8: {  	_ =	swait.ge [sflag:s29], $0x1  }
0xb9: {  	[sflag:s29] =	ssyncadd.s32 $0xFFFFFFFF  }
0xba: {  	_ =	strace $0x90000048  }
0xbb: {  	_ =	sfence  }
0xbc: {  	s30 =	sld [smem:$0x0];
	_ =	sdelay $0x2  }
0xbd: {  	s31 =	sshll.u32 s1, $0xD;
	s1 =	sshrl.u32 s1, $0x2  }
0xbe: {  	s3 =	sand.u32 $0x4000, s31;
	s1 =	sadd.s32 s1, s30  }
0xbf: {  	s0 =	sor.u32 s3, s0;
	s1 =	sshll.u32 s1, $0x11  }
0xc0: {  	s0 =	sor.u32 s1, s0  }
0xc1: {  	s0 =	sadd.s32 $0x8F2B, s0  }
0xc2: {  	[sflag:s0] =	ssyncadd.remote.s32 $0x1  }
0xc3: {  	_ =	sfence.sel $0xFFFF  }
0xc4: {  	[dreg:$0x0] =	wrdreg $0xFFFFFFFF;
	(pc) =	sbr.abs _section_cstart, $3  }
0xc5: {  	[dreg:$0x1] =	wrdreg $0xFFFFFFFF  }
0xc6: {  	_ =	task.clear_ibuf [dreg:s9], $0x2FFFF;
	_ =	strace $0x9FFFFFFF  }
0xc7: {  	(tm) =	ssettm $0x7FFFFFFF  }
tec
execute0_lowered:
.L_overlay_start_1:
0x0: {  	(tag) =	ssettag $0x1  }
0x1: {  	s11 =	rddreg [dreg:$0x0]  }
0x2: {  	s12 =	rddreg [dreg:$0x1]  }
0x3: {  	s4 =	rddreg [dreg:$0x2]  }
0x4: {  	s8 =	rddreg [dreg:$0x3]  }
0x5: {  	s1 =	rddreg [dreg:$0x4];
	s3 =	simm.s32 $0x0  }
0x6: {  	s5 =	srdreg.scid;
	s0 =	stileid.u32;
	s18 =	simm.s32 $0x1  }
0x7: {  	s19 =	simm.s32 $0x3;
	s20 =	simm.s32 $0x80;
	s21 =	simm.s32 $0x8180  }
0x8: {  	s22 =	simm.s32 $0x2;
	s23 =	simm.s32 $0x4;
	s24 =	simm.s32 $0x8080  }
0x9: {  	s28 =	simm.s32 $0x0;
	[smem:$0x7FF] =	sst s3;
	s13 =	sand.u32 $0x1, s5  }
0xa: {  	s25 =	sshll.u32 s0, $0x9;
	s29 =	sshll.u32 s0, $0x1;
	s15 =	sshll.u32 s0, $0xC  }
0xb: {  	s16 =	sshll.u32 s0, $0x7;
	s7 =	sadd.s32 $0x186800, s11;
	s30 =	sshll.u32 s0, $0x5  }
0xc: {  	_ =	strace $0x80000047;
	s6 =	ssub.s32 $0x2, s13;
	s9 =	sadd.s32 s25, s4  }
0xd: {  	s25 =	sor.u32 s13, s29;
	s4 =	sadd.s32 s15, s1;
	s17 =	sshll.u32 s13, $0xD  }
0xe: {  	s16 =	sand.u32 $0x600, s16;
	s31 =	sshll.u32 s13, $0xB;
	s13 =	sshll.u32 s13, $0x4  }
0xf: {  	s26 =	sshrl.u32 s6, $0x1;
	s5 =	sshll.u32 s25, $0xB;
	s10 =	sshll.u32 s25, $0x4  }
0x10: {  	s9 =	sadd.s32 s17, s9;
	s16 =	sadd.s32 s8, s16;
	s8 =	sadd.s32 $0x30D0, s12  }
0x11: {  	s17 =	simm.s32 $0x8000;
	p0 =	sne.s32 s25, $0x1F;
	s14 =	ssub.s32 s6, s26  }
.Ltmp0:
0x12: {  	s5 =	sadd.s32 s11, s5;
	s6 =	sadd.s32 s12, s10;
	(pc) =	sbr.rel .LBB2_1-.Ltmp0, $4  }
0x13: {  	s10 =	sand.u32 $0x70, s10;
	s9 =	sadd.s32 $0x1A00, s9;
	s11 =	sadd.s32 s15, s11  }
0x14: {  	s12 =	sadd.s32 s30, s12;
	s10 =	sadd.s32 s10, s16;
	s15 =	sadd.s32 s31, s11  }
0x15: {  	s11 =	smax.u32 s14, $0x1;
	s12 =	sadd.s32 s13, s12;
	s14 =	sor.u32 $0x20, s25  }
0x16: {  	v0 =	vimm.f32 $0.0e+00;
	v1 =	vimm.f32 $1.000000000e+00;
	s16 =	simm.s32 $0x5;
	s25 =	simm.s32 $0x4000;
	s13 =	sadd.s32 $0x20000, s15  }
.LBB2_10:
0x17: {  	s0 =	simm.s32 @!p0 $0x0;
	s2 =	simm.s32 @!p0 $0x5  }
0x18: {  	[tilespmem:s0], [sflag:$0x5] =	stream.linear.gather @!p0 [hbm4b:s7+s0], $0x1000, $0x38;
	[tilespmem:$0xA380] =	vst v63  }
0x19: {  	_ =	swait.ge @!p0 [sflag:s2], $0x1000  }
0x1a: {  	[sflag:s2] =	ssyncset.done @!p0 $0x0  }
0x1b: {  	s15 =	simm.s32 @!p0 $0x8100;
	[sflag:s2] =	ssyncadd.s32 @!p0 $0xFFFFF000  }
0x1c: {  	[tilespmem:s15], [sflag:$0x5] =	stream.linear.gather @!p0 [hbm4b:s8+s0], $0x20, $0x38;
	[tilespmem:$0xA380] =	vst v63  }
0x1d: {  	_ =	swait.ge @!p0 [sflag:s2], $0x20  }
0x1e: {  	[sflag:s2] =	ssyncset.done @!p0 $0x0  }
0x1f: {  	s26 =	simm.s32 @!p0 $0x20;
	[sflag:s2] =	ssyncadd.s32 @!p0 $0xFFFFFFE0  }
0x20: {  	[spmem:s1] =	stream.indirect.scatter.add.f32 @!p0 [tilespmem:s0], [sflag:$0x5], $0x80, s15, s26, $0xb8;
	[tilespmem:$0xA380] =	vst v63  }
0x21: {  	_ =	swait.ge @!p0 [sflag:s2], $0x1000  }
0x22: {  	[sflag:s2] =	ssyncset.done @!p0 $0x0  }
0x23: {  	[sflag:s2] =	ssyncadd.s32 @!p0 $0xFFFFF000  }
0x24: {  	v2 =	vld @!p0 [tilespmem:$0x8100];
	_ =	sdelay $0x6  }
0x25: {  	v3 =	vimm.f32 @!p0 $1.000000000e+00;
	s0 =	simm.s32 @!p0 $0x8180  }
0x26: {  	[tilespmem:v2+s0+$0x0] =	vst.idx.add.f32.msk @!p0 $0xffff, v3  }
0x27: {  	v2 =	vld @!p0 [tilespmem:$0x8110];
	_ =	sdelay $0x6  }
0x28: {  	s29 =	stileid.u32  }
0x29: {  	[tilespmem:v2+s0+$0x0] =	vst.idx.add.f32.msk @!p0 $0xffff, v3;
	s0 =	sshll.u32 s29, $0x6  }
0x2a: {  	s30 =	sshrl.u32 s4, $0x3;
	[bflag:$0x0] =	sbarrier.arrive $0xFFFF;
	s0 =	sor.u32 $0x1C05, s0  }
0x2b: {  	[hbm:s9], [sflag:s0] =	dma.local [spmem:s30], $0x200  }
0x2c: {  	s28 =	sadd.s32 $0x1, s28;
	_ =	swait.ge [sflag:s16], $0x200  }
0x2d: {  	p1 =	sne.s32 s28, s11;
	[sflag:s16] =	ssyncset.done $0x0  }
.Ltmp1:
0x2e: {  	s31 =	simm.s32 $0x400;
	[sflag:s16] =	ssyncadd.s32 $0xFFFFFE00;
	(pc) =	sbr.rel @!p1 .LBB2_11-.Ltmp1, $4  }
0x2f: {  	[hbm4b:s10+s20] =	stream.strided.scatter [tilespmem:s21], [sflag:$0x5], $0x200, s31, s20, $0x38;
	[tilespmem:$0xA380] =	vst v63  }
0x30: {  	_ =	swait.ge [sflag:s16], $0x200  }
0x31: {  	[sflag:s16] =	ssyncset.done $0x0  }
0x32: {  	[sflag:s16] =	ssyncadd.s32 $0xFFFFFE00  }
.LBB2_1:
0x33: {  	s29 =	simm.s32 $0x83C0  }
0x34: {  	[tilespmem:s29+$0xFFFFFFD0] =	vst v0  }
0x35: {  	[tilespmem:s29+$0xFFFFFFE0] =	vst v0  }
0x36: {  	[tilespmem:s29+$0xFFFFFFF0] =	vst v0  }
0x37: {  	[tilespmem:s29+$0x0] =	vst v0  }
0x38: {  	[tilespmem:s29+$0x10] =	vst v0  }
0x39: {  	[tilespmem:s29+$0x20] =	vst v0  }
0x3a: {  	[tilespmem:s29+$0x30] =	vst v0  }
0x3b: {  	s31 =	simm.s32 $0x0;
	s30 =	simm.s32 $0x40;
	[tilespmem:s29+$0xFFFFFFC0] =	vst v0  }
.LBB2_2:
0x3c: {  	p1 =	sne.s32 s30, $0x7C0;
	[tilespmem:s31+$0x8180] =	vst v0;
	s29 =	sadd.s32 $0x80, s29  }
0x3d: {  	[tilespmem:s29+$0xFFFFFFD0] =	vst v0  }
0x3e: {  	[tilespmem:s29+$0xFFFFFFE0] =	vst v0  }
0x3f: {  	[tilespmem:s29+$0xFFFFFFF0] =	vst v0  }
.Ltmp2:
0x40: {  	[tilespmem:s29+$0x0] =	vst v0;
	(pc) =	sbr.rel @p1 .LBB2_2-.Ltmp2, $4  }
0x41: {  	[tilespmem:s29+$0x10] =	vst v0  }
0x42: {  	[tilespmem:s29+$0x20] =	vst v0  }
0x43: {  	[tilespmem:s29+$0x30] =	vst v0  }
0x44: {  	s31 =	sshra.s32 s30, $0x2;
	s30 =	sadd.s32 $0x40, s30;
	[tilespmem:s29+$0xFFFFFFC0] =	vst v0  }
0x45: {  	[tilespmem:s31+$0x8180] =	vst v0;
	s0 =	simm.s32 $0x8380  }
0x46: {  	[spmem:s4] =	stream.linear.scatter [tilespmem:s0], [sflag:$0x5], $0x1000, $0x38;
	[tilespmem:$0xA380] =	vst v63  }
0x47: {  	_ =	swait.ge [sflag:s16], $0x1000  }
0x48: {  	[sflag:s16] =	ssyncset.done $0x0  }
.Ltmp3:
0x49: {  	[sflag:s16] =	ssyncadd.s32 $0xFFFFF000;
	(pc) =	sbr.rel .LBB2_4-.Ltmp3, $4  }
0x4a: {  	s29 =	simm.s32 $0x0;
	[bflag:$0x0] =	sbarrier.arrive $0xFFFF  }
0x4b: {  	[tilespmem:s29], [sflag:$0x1] =	stream.linear.gather [hbm4b:s5+s29], $0x4000, $0x38;
	[tilespmem:$0xA380] =	vst v63  }
0x4c: {  	s30 =	smov.u32 s14;
	s31 =	smov.u32 s13  }
0x4d: {  	[tilespmem:s17], [sflag:$0x3] =	stream.linear.gather [hbm4b:s6+s29], $0x80, $0x38;
	[tilespmem:$0xA380] =	vst v63  }
.LBB2_6:
0x4e: {  	[tilespmem:s3], [sflag:$0x1] =	stream.linear.gather [hbm4b:s31+s3], $0x4000, $0x38;
	[tilespmem:$0xA380] =	vst v63  }
0x4f: {  	s0 =	sadd.s32 s29, s12  }
0x50: {  	s0 =	sadd.s32 $0x400, s0  }
0x51: {  	[tilespmem:s17], [sflag:$0x3] =	stream.linear.gather [hbm4b:s0+s3], $0x80, $0x38;
	[tilespmem:$0xA380] =	vst v63  }
.LBB2_8:
0x52: {  	_ =	swait.ge [sflag:s22], $0x4000  }
0x53: {  	[sflag:s22] =	ssyncset.done $0x0  }
0x54: {  	[sflag:s22] =	ssyncadd.s32 $0xFFFFC000  }
0x55: {  	_ =	swait.ge [sflag:s23], $0x80  }
0x56: {  	[sflag:s23] =	ssyncset.done $0x0  }
0x57: {  	[sflag:s23] =	ssyncadd.s32 $0xFFFFFF80  }
0x58: {  	[spmem:s1] =	stream.indirect.scatter.add.f32 [tilespmem:s25], [sflag:$0x5], $0x80, s24, s20, $0xb8;
	[tilespmem:$0xA380] =	vst v63  }
0x59: {  	_ =	swait.ge [sflag:s16], $0x4000  }
0x5a: {  	[sflag:s16] =	ssyncset.done $0x0  }
0x5b: {  	[sflag:s16] =	ssyncadd.s32 $0xFFFFC000  }
0x5c: {  	v2 =	vld [tilespmem:$0x8080];
	_ =	sdelay $0x7  }
0x5d: {  	[tilespmem:v2+s21+$0x0] =	vst.idx.add.f32.msk $0xffff, v1  }
0x5e: {  	v2 =	vld [tilespmem:$0x8090];
	_ =	sdelay $0x7  }
0x5f: {  	[tilespmem:v2+s21+$0x0] =	vst.idx.add.f32.msk $0xffff, v1  }
0x60: {  	v2 =	vld [tilespmem:$0x80A0];
	_ =	sdelay $0x7  }
0x61: {  	[tilespmem:v2+s21+$0x0] =	vst.idx.add.f32.msk $0xffff, v1  }
0x62: {  	v2 =	vld [tilespmem:$0x80B0];
	_ =	sdelay $0x7  }
0x63: {  	[tilespmem:v2+s21+$0x0] =	vst.idx.add.f32.msk $0xffff, v1  }
0x64: {  	v2 =	vld [tilespmem:$0x80C0];
	_ =	sdelay $0x7  }
0x65: {  	[tilespmem:v2+s21+$0x0] =	vst.idx.add.f32.msk $0xffff, v1  }
0x66: {  	v2 =	vld [tilespmem:$0x80D0];
	_ =	sdelay $0x7  }
0x67: {  	[tilespmem:v2+s21+$0x0] =	vst.idx.add.f32.msk $0xffff, v1  }
0x68: {  	v2 =	vld [tilespmem:$0x80E0];
	_ =	sdelay $0x7  }
0x69: {  	[tilespmem:v2+s21+$0x0] =	vst.idx.add.f32.msk $0xffff, v1  }
0x6a: {  	v2 =	vld [tilespmem:$0x80F0];
	_ =	sdelay $0x7  }
0x6b: {  	[tilespmem:v2+s21+$0x0] =	vst.idx.add.f32.msk $0xffff, v1  }
.LBB2_9:
0x6c: {  	s29 =	sadd.s32 $0x400, s29  }
0x6d: {  	p1 =	sne.s32 s29, $0x3400  }
.Ltmp4:
0x6e: {  	_ = 	snop;
	(pc) =	sbr.rel @!p1 .LBB2_10-.Ltmp4, $2  }
0x6f: {  	_ =	sdelay $0x2  }
0x70: {  	s31 =	sadd.s32 $0x20000, s31;
	s30 =	sadd.s32 $0x40, s30  }
.LBB2_4:
0x71: {  	p1 =	sgt.u32 s30, $0x30C  }
0x72: {  	s0 =	sadd.s32 @!p1 $0xFFFF0000, s31;
	s2 =	simm.s32 @!p1 $0x0;
	s15 =	simm.s32 @!p1 $0x4000  }
0x73: {  	[tilespmem:s15], [sflag:$0x2] =	stream.linear.gather @!p1 [hbm4b:s0+s2], $0x4000, $0x38;
	[tilespmem:$0xA380] =	vst v63  }
0x74: {  	s15 =	sadd.s32 $0xFFFFFFE0, s30  }
0x75: {  	p2 =	sgt.u32 s15, $0x30C  }
.Ltmp5:
0x76: {  	_ = 	snop;
	(pc) =	sbr.rel @p2 .LBB2_9-.Ltmp5, $4  }
0x77: {  	_ = 	snop  }
0x78: {  	s0 =	sadd.s32 @!p1 s29, s12  }
0x79: {  	s26 =	simm.s32 @!p1 $0x8080;
	s0 =	sadd.s32 @!p1 $0x200, s0  }
0x7a: {  	[tilespmem:s26], [sflag:$0x4] =	stream.linear.gather @!p1 [hbm4b:s0+s2], $0x80, $0x38;
	[tilespmem:$0xA380] =	vst v63  }
0x7b: {  	_ =	swait.ge [sflag:s18], $0x4000  }
0x7c: {  	[sflag:s18] =	ssyncset.done $0x0  }
0x7d: {  	[sflag:s18] =	ssyncadd.s32 $0xFFFFC000  }
0x7e: {  	_ =	swait.ge [sflag:s19], $0x80  }
0x7f: {  	[sflag:s19] =	ssyncset.done $0x0  }
0x80: {  	[sflag:s19] =	ssyncadd.s32 $0xFFFFFF80  }
0x81: {  	[spmem:s1] =	stream.indirect.scatter.add.f32 [tilespmem:s3], [sflag:$0x5], $0x80, s17, s20, $0xb8;
	[tilespmem:$0xA380] =	vst v63  }
0x82: {  	_ =	swait.ge [sflag:s16], $0x4000  }
0x83: {  	[sflag:s16] =	ssyncset.done $0x0  }
0x84: {  	[sflag:s16] =	ssyncadd.s32 $0xFFFFC000  }
0x85: {  	v2 =	vld [tilespmem:$0x8000];
	_ =	sdelay $0x7  }
0x86: {  	[tilespmem:v2+s21+$0x0] =	vst.idx.add.f32.msk $0xffff, v1  }
0x87: {  	v2 =	vld [tilespmem:$0x8010];
	_ =	sdelay $0x7  }
0x88: {  	[tilespmem:v2+s21+$0x0] =	vst.idx.add.f32.msk $0xffff, v1  }
0x89: {  	v2 =	vld [tilespmem:$0x8020];
	_ =	sdelay $0x7  }
0x8a: {  	[tilespmem:v2+s21+$0x0] =	vst.idx.add.f32.msk $0xffff, v1  }
0x8b: {  	v2 =	vld [tilespmem:$0x8030];
	_ =	sdelay $0x7  }
0x8c: {  	[tilespmem:v2+s21+$0x0] =	vst.idx.add.f32.msk $0xffff, v1  }
0x8d: {  	v2 =	vld [tilespmem:$0x8040];
	_ =	sdelay $0x7  }
0x8e: {  	[tilespmem:v2+s21+$0x0] =	vst.idx.add.f32.msk $0xffff, v1  }
0x8f: {  	v2 =	vld [tilespmem:$0x8050];
	_ =	sdelay $0x7  }
0x90: {  	[tilespmem:v2+s21+$0x0] =	vst.idx.add.f32.msk $0xffff, v1  }
0x91: {  	v2 =	vld [tilespmem:$0x8060];
	_ =	sdelay $0x7  }
0x92: {  	[tilespmem:v2+s21+$0x0] =	vst.idx.add.f32.msk $0xffff, v1  }
0x93: {  	v2 =	vld [tilespmem:$0x8070];
	_ =	sdelay $0x2  }
0x94: {  	p2 =	sgt.u32 s30, $0x2EC  }
.Ltmp6:
0x95: {  	_ = 	snop;
	(pc) =	sbr.rel @!p2 .LBB2_6-.Ltmp6, $2  }
0x96: {  	_ =	sdelay $0x2  }
0x97: {  	[tilespmem:v2+s21+$0x0] =	vst.idx.add.f32.msk $0xffff, v1  }
.Ltmp7:
0x98: {  	(pc) =	sbr.rel @p1 .LBB2_9-.Ltmp7, $4  }
.Ltmp8:
0x99: {  	(pc) =	sbr.rel @!p1 .LBB2_8-.Ltmp8, $4  }
0x9a: {  	_ = 	snop  }
0x9b: {  	_ = 	snop  }
0x9c: {  	_ = 	snop  }
0x9d: {  	_ = 	snop  }
.LBB2_11:
0x9e: {  	_ =	sfence.sel $0x180000  }
0x9f: {  	[bflag:$0x0] =	sbarrier.arrive $0xFFFF  }
0xa0: {  	_ =	strace $0x90000047  }
0xa1: {  	s0 =	stileid.u32;
	[bflag:$0x2] =	sbarrier.arrive $0xFFFF  }
0xa2: {  	p0 =	sne.s32 s0, $0x0;
	s0 =	rddreg [dreg:$0x5]  }
0xa3: {  	s0 =	sadd.s32 @!p0 $0x100000, s0  }
0xa4: {  	[sflag:s0] =	ssyncadd.tile.s32 @!p0 $0x1;
	_ =	shalt  }
.Lfunc_end2:
_tile_overlayer_lowered:
.L_overlay_start_2:
0xa5: {  	(tag) =	ssettag $0x2  }
0xa6: {  	s0 =	rddreg [dreg:$0x0];
	s2 =	stileid.u32  }
0xa7: {  	s1 =	rddreg [dreg:$0x1];
	p0 =	sne.s32 s2, $0x0  }
0xa8: {  	s3 =	rddreg [dreg:$0x2];
	[bflag:$0x3] =	sbarrier.arrive $0xFFFF;
	s2 =	simm.s32 @!p0 $0x1C05  }
0xa9: {  	[timem:s3], [sflag:s2] =	dma.local @!p0 [hbm:s0], s1  }
0xaa: {  	s0 =	simm.s32 @!p0 $0x5  }
0xab: {  	_ =	swait.ge @!p0 [sflag:s0], s1  }
0xac: {  	s1 =	ssub.s32 @!p0 $0x0, s1;
	[sflag:s0] =	ssyncset.done @!p0 $0x0  }
0xad: {  	[sflag:s0] =	ssyncadd.s32 @!p0 s1  }
0xae: {  	[bflag:$0x3] =	sbarrier.arrive $0xFFFF  }
0xaf: {  	_ =	shalt  }

</sc_bundles>
